<compile_context>
chip_gen: v7x
topology: tpu7x:2x2x1
jax: 0.10.2.dev20260603
libtpu: 0.0.44.dev20260713+nightly
codegen_flags: <defaults>
</compile_context>

<pallas_src>
import functools

import jax
import jax.numpy as jnp
from jax import lax
from jax.experimental import pallas as pl
from jax.experimental.pallas import tpu as pltpu
from jax.experimental.pallas import tpu_sc as plsc

D = 50
DP = 64
H = 64



def _make_sc_gather(n_rows, d, n_workers=32, k=8):
    sg_rows = k * 128
    n_sg = n_rows // sg_rows
    assert n_sg * sg_rows == n_rows
    n_outer = (n_sg + n_workers - 1) // n_workers

    mesh = plsc.VectorSubcoreMesh(core_axis_name="c", subcore_axis_name="s")

    @functools.partial(
        pl.kernel,
        mesh=mesh,
        compiler_params=pltpu.CompilerParams(use_tc_tiling_on_sc=False),
        out_type=jax.ShapeDtypeStruct((n_rows, d), jnp.float32),
        scratch_types=[
            pltpu.VMEM((k, 128), jnp.int32),
            pltpu.VMEM((sg_rows, d), jnp.float32),
            pltpu.SemaphoreType.DMA,
        ],
    )
    def gather(emb_hbm, idx_hbm, out_hbm, idx_v, rows_v, sem):
        wid = lax.axis_index("s") * 2 + lax.axis_index("c")

        def body(j, carry):
            sg = j * n_workers + wid

            @pl.when(sg < n_sg)
            def _():
                ir0 = pl.multiple_of(sg * k, 8)
                pltpu.sync_copy(idx_hbm.at[pl.ds(ir0, k)], idx_v)
                cps = [
                    pltpu.async_copy(
                        emb_hbm.at[idx_v.at[j2]],
                        rows_v.at[pl.ds(j2 * 128, 128)],
                        sem,
                    )
                    for j2 in range(k)
                ]
                for cp in cps:
                    cp.wait()
                r0 = pl.multiple_of(sg * sg_rows, 8)
                pltpu.sync_copy(rows_v, out_hbm.at[pl.ds(r0, sg_rows)])

            return carry

        lax.fori_loop(0, n_outer, body, 0)

    return gather



def _make_lstm_call(b2, t_span, tc, first, last, interpret=False):
    nt = t_span // tc
    half = b2 // 2

    def body(*refs):
        if first:
            (e_ref, wt_ref, ut_ref, bt_ref, wdt_ref, bdt_ref), rest = refs[:6], refs[6:]
        else:
            (e_ref, wt_ref, ut_ref, bt_ref, wdt_ref, bdt_ref, h0_ref, c0_ref), rest = refs[:8], refs[8:]
        if last:
            (out_ref, h_ref, c_ref) = rest
        else:
            (ho_ref, co_ref, h_ref, c_ref) = rest
        t_idx = pl.program_id(0)

        @pl.when(t_idx == 0)
        def _():
            if first:
                h_ref[...] = jnp.zeros((H, b2), jnp.float32)
                c_ref[...] = jnp.zeros((H, b2), jnp.float32)
            else:
                h_ref[...] = h0_ref[...]
                c_ref[...] = c0_ref[...]

        wt = wt_ref[...]
        ut = ut_ref[...]
        bt = bt_ref[...]

        def step(tt, hc):
            h, c = hc
            x = e_ref[tt]
            z = lax.dot_general(wt, x, (((1,), (1,)), ((), ())),
                                preferred_element_type=jnp.float32)
            z = z + jnp.dot(ut, h, preferred_element_type=jnp.float32) + bt
            gi = 0.5 + 0.5 * jnp.tanh(0.5 * z[0 * H:1 * H])
            gf = 0.5 + 0.5 * jnp.tanh(0.5 * z[1 * H:2 * H])
            gg = jnp.tanh(z[2 * H:3 * H])
            go = 0.5 + 0.5 * jnp.tanh(0.5 * z[3 * H:4 * H])
            c = gf * c + gi * gg
            h = go * jnp.tanh(c)
            return (h, c)

        h, c = lax.fori_loop(0, tc, step, (h_ref[...], c_ref[...]))
        h_ref[...] = h
        c_ref[...] = c

        @pl.when(t_idx == nt - 1)
        def _():
            if last:
                merged = jnp.concatenate([h[:, :half], h[:, half:]], axis=0)
                logits = (jnp.dot(wdt_ref[...], merged,
                                  preferred_element_type=jnp.float32)
                          + bdt_ref[...])
                m = jnp.max(logits, axis=0, keepdims=True)
                p = jnp.exp(logits - m)
                out_ref[...] = p / jnp.sum(p, axis=0, keepdims=True)
            else:
                ho_ref[...] = h
                co_ref[...] = c

    in_specs = [
        pl.BlockSpec((tc, b2, DP), lambda t: (t, 0, 0)),
        pl.BlockSpec((4 * H, DP), lambda t: (0, 0)),
        pl.BlockSpec((4 * H, H), lambda t: (0, 0)),
        pl.BlockSpec((4 * H, 1), lambda t: (0, 0)),
        pl.BlockSpec((8, 2 * H), lambda t: (0, 0)),
        pl.BlockSpec((8, 1), lambda t: (0, 0)),
    ]
    if not first:
        in_specs += [
            pl.BlockSpec((H, b2), lambda t: (0, 0)),
            pl.BlockSpec((H, b2), lambda t: (0, 0)),
        ]
    if last:
        out_specs = pl.BlockSpec((8, half), lambda t: (0, 0))
        out_shape = jax.ShapeDtypeStruct((8, half), jnp.float32)
    else:
        out_specs = [pl.BlockSpec((H, b2), lambda t: (0, 0))] * 2
        out_shape = [jax.ShapeDtypeStruct((H, b2), jnp.float32)] * 2

    return pl.pallas_call(
        body,
        grid=(nt,),
        in_specs=in_specs,
        out_specs=out_specs,
        out_shape=out_shape,
        scratch_shapes=[
            pltpu.VMEM((H, b2), jnp.float32),
            pltpu.VMEM((H, b2), jnp.float32),
        ],
        interpret=interpret,
    )



def _prep_weights(W, U, b, Wd, bd):
    Wt = jnp.pad(W, ((0, DP - W.shape[0]), (0, 0))).T
    Ut = U.T
    bt = b.reshape(-1, 1)
    Wdt = jnp.pad(Wd.T, ((0, 5), (0, 0)))
    bdt = jnp.concatenate([bd, jnp.full((5,), -1e30, bd.dtype)]).reshape(8, 1)
    return Wt, Ut, bt, Wdt, bdt


def _build_indices(input_1, input_2):
    return jnp.concatenate([input_1.T, input_2.T], axis=1).reshape(-1, 128).astype(jnp.int32)



def kernel(input_1, input_2, embed, W, U, b, Wd, bd):
    bsz, t_total = input_1.shape
    b2 = 2 * bsz
    n_rows = b2 * t_total

    emb_pad = jnp.pad(embed, ((0, 0), (0, DP - embed.shape[1])))
    Wt, Ut, bt, Wdt, bdt = _prep_weights(W, U, b, Wd, bd)
    idx = _build_indices(input_1, input_2)

    spans = [40, 60, 100]
    assert sum(spans) == t_total
    es, r0 = [], 0
    for ts in spans:
        nr = b2 * ts
        es.append(_make_sc_gather(nr, DP)(
            emb_pad, idx[r0 // 128:(r0 + nr) // 128]).reshape(ts, b2, DP))
        r0 += nr

    h, c = _make_lstm_call(b2, spans[0], 10, first=True, last=False)(
        es[0], Wt, Ut, bt, Wdt, bdt)
    for p in range(1, len(spans) - 1):
        h, c = _make_lstm_call(b2, spans[p], 10, first=False, last=False)(
            es[p], Wt, Ut, bt, Wdt, bdt, h, c)
    out_t = _make_lstm_call(b2, spans[-1], 10, first=False, last=True)(
        es[-1], Wt, Ut, bt, Wdt, bdt, h, c)
    return out_t[:3].T

# --- scband reference (transcript-rebuilt; emitter-appended) ---
"""Pipeline reference for scband-my-model-2104533975198 (READ-ONLY COPY).

The authoritative reference and input builder live on the scoring server;
editing this copy changes nothing except your own understanding.
"""

import jax, jax.numpy as jnp
import numpy as np

V = 100001  # tokenizer.num_words + 1
D = 50      # embedding dim
H = 64      # LSTM units
B = 1024
T = 200


def setup_inputs(seed: int = 0) -> dict:
    key = jax.random.key(seed)
    k = jax.random.split(key, 8)
    input_1 = jax.random.randint(k[0], (B, T), 0, V)
    input_2 = jax.random.randint(k[1], (B, T), 0, V)
    embed = jax.random.normal(k[2], (V, D), dtype=jnp.float32) * 0.05
    W = jax.random.normal(k[3], (D, 4 * H), dtype=jnp.float32) * 0.05
    U = jax.random.normal(k[4], (H, 4 * H), dtype=jnp.float32) * 0.05
    b = jnp.zeros((4 * H,), dtype=jnp.float32)
    Wd = jax.random.normal(k[5], (2 * H, 3), dtype=jnp.float32) * 0.05
    bd = jnp.zeros((3,), dtype=jnp.float32)
    return {"input_1": input_1, "input_2": input_2, "embed": embed,
            "W": W, "U": U, "b": b, "Wd": Wd, "bd": bd}


def _lstm(x, W, U, b):
    # Keras LSTM, return_sequences=False; gate order i, f, g(c), o
    bsz = x.shape[0]
    h0 = jnp.zeros((bsz, H), dtype=x.dtype)
    c0 = jnp.zeros((bsz, H), dtype=x.dtype)

    def cell(carry, xt):
        h, c = carry
        z = xt @ W + h @ U + b
        i, f, g, o = jnp.split(z, 4, axis=-1)
        i = jax.nn.sigmoid(i)
        f = jax.nn.sigmoid(f)
        g = jnp.tanh(g)
        o = jax.nn.sigmoid(o)
        c = f * c + i * g
        h = o * jnp.tanh(c)
        return (h, c), None

    (h, c), _ = jax.lax.scan(cell, (h0, c0), jnp.transpose(x, (1, 0, 2)))
    return h


def reference(input_1, input_2, embed, W, U, b, Wd, bd):
    e1 = jnp.take(embed, input_1, axis=0)  # [B, T, D] embedding gather
    e2 = jnp.take(embed, input_2, axis=0)
    h1 = _lstm(e1, W, U, b)  # [B, H] shared LSTM weights
    h2 = _lstm(e2, W, U, b)
    merged = jnp.concatenate([h1, h2], axis=-1)  # [B, 2H]
    logits = merged @ Wd + bd
    return jax.nn.softmax(logits, axis=-1)

if __name__ == "__main__":
    import jax
    _d = setup_inputs()
    print(jax.jit(kernel)(*tuple(_d.values())))

</pallas_src>

<mosaic_0001>
#map = affine_map<(d0, d1) -> (0, 0)>
module attributes {stable_mosaic.version = 14 : i64} {
  func.func @gather(%arg0: i32, %arg1: i32, %arg2: memref<100001x64xf32, #tpu.memory_space<hbm>>, %arg3: memref<960x128xi32, #tpu.memory_space<hbm>>, %arg4: memref<122880x64xf32, #tpu.memory_space<hbm>>, %arg5: memref<8x128xi32, #tpu.memory_space<vmem>>, %arg6: memref<1024x64xf32, #tpu.memory_space<vmem>>, %arg7: memref<!tpu.dma_semaphore, #tpu.memory_space<semaphore_mem>>) attributes {dimension_semantics = [#tpu.dimension_semantics<core_parallel>, #tpu.dimension_semantics<subcore_parallel>], iteration_bounds = array<i64: 2, 16>, scalar_prefetch = 0 : i64, scratch_operands = 3 : i64, tpu.core_type = #tpu.core_type<sc_vector_subcore>, window_params = [{transform_indices = #map}, {transform_indices = #map}, {transform_indices = #map}]} {
    %mul3A = arith.constant 2 : i32
    %mul3A_0 = arith.muli %arg1, %mul3A : i32
    %add3A = arith.addi %mul3A_0, %arg0 : i32
    %scan3A = arith.constant 0 : i32
    %scan3A_1 = arith.constant 0 : i32
    %scan3A_2 = arith.constant 4 : i32
    %scan3A_3 = arith.addi %scan3A_1, %scan3A_2 : i32
    %scan3A_4 = arith.constant 1 : i32
    scf.for %scan3A_6 = %scan3A_1 to %scan3A_3 step %scan3A_4  : i32 {
      %mul3A_7 = arith.constant 32 : i32
      %mul3A_8 = arith.muli %scan3A_6, %mul3A_7 : i32
      %add3A_9 = arith.addi %mul3A_8, %add3A : i32
      %lt3A = arith.constant 120 : i32
      %lt3A_10 = arith.cmpi slt, %add3A_9, %lt3A : i32
      %convert_element_type3A = arith.extui %lt3A_10 : i1 to i32
      %cond3A = arith.constant 0 : i32
      %cond3A_11 = arith.cmpi ne, %convert_element_type3A, %cond3A : i32
      scf.if %cond3A_11 {
        %mul3A_12 = arith.constant 8 : i32
        %mul3A_13 = arith.muli %add3A_9, %mul3A_12 : i32
        %multiple_of3A = tpu.assume_multiple %mul3A_13, 8 : i32
        "tpu.region"() ({
          %run_scoped3A = tpu.sem_alloc : memref<!tpu.dma_semaphore, #tpu.memory_space<semaphore_mem>>
          %dma_start3A_175 = arith.constant 0 : i32
          %dma_start3A_176 = tpu.memref_slice %arg3[%multiple_of3A, %dma_start3A_175] : memref<960x128xi32, #tpu.memory_space<hbm>> -> memref<8x128xi32, #tpu.memory_space<hbm>>
          %dma_start3A_177 = arith.constant 0 : i32
          %dma_start3A_178 = tpu.memref_slice %arg3[%multiple_of3A, %dma_start3A_177] : memref<960x128xi32, #tpu.memory_space<hbm>> -> memref<8x128xi32, #tpu.memory_space<hbm>>
          tpu.enqueue_dma source(%dma_start3A_178 : memref<8x128xi32, #tpu.memory_space<hbm>>) target(%arg5 : memref<8x128xi32, #tpu.memory_space<vmem>>) target_semaphore(%run_scoped3A : memref<!tpu.dma_semaphore, #tpu.memory_space<semaphore_mem>>)
          %dma_wait3A_179 = arith.constant 0 : i32
          %dma_wait3A_180 = tpu.memref_slice %arg3[%multiple_of3A, %dma_wait3A_179] : memref<960x128xi32, #tpu.memory_space<hbm>> -> memref<8x128xi32, #tpu.memory_space<hbm>>
          %dma_wait3A_181 = arith.constant 0 : i32
          %dma_wait3A_182 = tpu.memref_slice %arg3[%multiple_of3A, %dma_wait3A_181] : memref<960x128xi32, #tpu.memory_space<hbm>> -> memref<8x128xi32, #tpu.memory_space<hbm>>
          tpu.wait_dma2 semaphore(%run_scoped3A : memref<!tpu.dma_semaphore, #tpu.memory_space<semaphore_mem>>) src(%dma_wait3A_182 : memref<8x128xi32, #tpu.memory_space<hbm>>) dst(%arg5 : memref<8x128xi32, #tpu.memory_space<vmem>>)
          tpu.yield
        }) : () -> ()
        %dma_start3A = arith.constant 0 : i32
        %dma_start3A_14 = arith.constant 0 : i32
        %dma_start3A_15 = arith.constant 0 : i32
        %dma_start3A_16 = tpu.memref_slice %arg6[%dma_start3A_14, %dma_start3A_15] : memref<1024x64xf32, #tpu.memory_space<vmem>> -> memref<128x64xf32, #tpu.memory_space<vmem>>
        %dma_start3A_17 = arith.constant 0 : i32
        %dma_start3A_18 = tpu.memref_slice %arg5[%dma_start3A, %dma_start3A_17] : memref<8x128xi32, #tpu.memory_space<vmem>> -> memref<1x128xi32, #tpu.memory_space<vmem>>
        %dma_start3A_19 = tpu.memref_squeeze %dma_start3A_18 : memref<1x128xi32, #tpu.memory_space<vmem>> -> memref<128xi32, #tpu.memory_space<vmem>>
        %dma_start3A_20 = arith.constant 0 : i32
        %dma_start3A_21 = arith.constant 0 : i32
        %dma_start3A_22 = tpu.memref_slice %arg2[%dma_start3A_20, %dma_start3A_21] : memref<100001x64xf32, #tpu.memory_space<hbm>> -> memref<100001x64xf32, #tpu.memory_space<hbm>>
        tpu.enqueue_indirect_dma source(%dma_start3A_22 : memref<100001x64xf32, #tpu.memory_space<hbm>>) target(%dma_start3A_16 : memref<128x64xf32, #tpu.memory_space<vmem>>) offsets(%dma_start3A_19 : memref<128xi32, #tpu.memory_space<vmem>>) semaphore(%arg7 : memref<!tpu.dma_semaphore, #tpu.memory_space<semaphore_mem>>)
        %dma_start3A_23 = arith.constant 1 : i32
        %dma_start3A_24 = arith.constant 128 : i32
        %dma_start3A_25 = arith.constant 0 : i32
        %dma_start3A_26 = tpu.memref_slice %arg6[%dma_start3A_24, %dma_start3A_25] : memref<1024x64xf32, #tpu.memory_space<vmem>> -> memref<128x64xf32, #tpu.memory_space<vmem>>
        %dma_start3A_27 = arith.constant 0 : i32
        %dma_start3A_28 = tpu.memref_slice %arg5[%dma_start3A_23, %dma_start3A_27] : memref<8x128xi32, #tpu.memory_space<vmem>> -> memref<1x128xi32, #tpu.memory_space<vmem>>
        %dma_start3A_29 = tpu.memref_squeeze %dma_start3A_28 : memref<1x128xi32, #tpu.memory_space<vmem>> -> memref<128xi32, #tpu.memory_space<vmem>>
        %dma_start3A_30 = arith.constant 0 : i32
        %dma_start3A_31 = arith.constant 0 : i32
        %dma_start3A_32 = tpu.memref_slice %arg2[%dma_start3A_30, %dma_start3A_31] : memref<100001x64xf32, #tpu.memory_space<hbm>> -> memref<100001x64xf32, #tpu.memory_space<hbm>>
        tpu.enqueue_indirect_dma source(%dma_start3A_32 : memref<100001x64xf32, #tpu.memory_space<hbm>>) target(%dma_start3A_26 : memref<128x64xf32, #tpu.memory_space<vmem>>) offsets(%dma_start3A_29 : memref<128xi32, #tpu.memory_space<vmem>>) semaphore(%arg7 : memref<!tpu.dma_semaphore, #tpu.memory_space<semaphore_mem>>)
        %dma_start3A_33 = arith.constant 2 : i32
        %dma_start3A_34 = arith.constant 256 : i32
        %dma_start3A_35 = arith.constant 0 : i32
        %dma_start3A_36 = tpu.memref_slice %arg6[%dma_start3A_34, %dma_start3A_35] : memref<1024x64xf32, #tpu.memory_space<vmem>> -> memref<128x64xf32, #tpu.memory_space<vmem>>
        %dma_start3A_37 = arith.constant 0 : i32
        %dma_start3A_38 = tpu.memref_slice %arg5[%dma_start3A_33, %dma_start3A_37] : memref<8x128xi32, #tpu.memory_space<vmem>> -> memref<1x128xi32, #tpu.memory_space<vmem>>
        %dma_start3A_39 = tpu.memref_squeeze %dma_start3A_38 : memref<1x128xi32, #tpu.memory_space<vmem>> -> memref<128xi32, #tpu.memory_space<vmem>>
        %dma_start3A_40 = arith.constant 0 : i32
        %dma_start3A_41 = arith.constant 0 : i32
        %dma_start3A_42 = tpu.memref_slice %arg2[%dma_start3A_40, %dma_start3A_41] : memref<100001x64xf32, #tpu.memory_space<hbm>> -> memref<100001x64xf32, #tpu.memory_space<hbm>>
        tpu.enqueue_indirect_dma source(%dma_start3A_42 : memref<100001x64xf32, #tpu.memory_space<hbm>>) target(%dma_start3A_36 : memref<128x64xf32, #tpu.memory_space<vmem>>) offsets(%dma_start3A_39 : memref<128xi32, #tpu.memory_space<vmem>>) semaphore(%arg7 : memref<!tpu.dma_semaphore, #tpu.memory_space<semaphore_mem>>)
        %dma_start3A_43 = arith.constant 3 : i32
        %dma_start3A_44 = arith.constant 384 : i32
        %dma_start3A_45 = arith.constant 0 : i32
        %dma_start3A_46 = tpu.memref_slice %arg6[%dma_start3A_44, %dma_start3A_45] : memref<1024x64xf32, #tpu.memory_space<vmem>> -> memref<128x64xf32, #tpu.memory_space<vmem>>
        %dma_start3A_47 = arith.constant 0 : i32
        %dma_start3A_48 = tpu.memref_slice %arg5[%dma_start3A_43, %dma_start3A_47] : memref<8x128xi32, #tpu.memory_space<vmem>> -> memref<1x128xi32, #tpu.memory_space<vmem>>
        %dma_start3A_49 = tpu.memref_squeeze %dma_start3A_48 : memref<1x128xi32, #tpu.memory_space<vmem>> -> memref<128xi32, #tpu.memory_space<vmem>>
        %dma_start3A_50 = arith.constant 0 : i32
        %dma_start3A_51 = arith.constant 0 : i32
        %dma_start3A_52 = tpu.memref_slice %arg2[%dma_start3A_50, %dma_start3A_51] : memref<100001x64xf32, #tpu.memory_space<hbm>> -> memref<100001x64xf32, #tpu.memory_space<hbm>>
        tpu.enqueue_indirect_dma source(%dma_start3A_52 : memref<100001x64xf32, #tpu.memory_space<hbm>>) target(%dma_start3A_46 : memref<128x64xf32, #tpu.memory_space<vmem>>) offsets(%dma_start3A_49 : memref<128xi32, #tpu.memory_space<vmem>>) semaphore(%arg7 : memref<!tpu.dma_semaphore, #tpu.memory_space<semaphore_mem>>)
        %dma_start3A_53 = arith.constant 4 : i32
        %dma_start3A_54 = arith.constant 512 : i32
        %dma_start3A_55 = arith.constant 0 : i32
        %dma_start3A_56 = tpu.memref_slice %arg6[%dma_start3A_54, %dma_start3A_55] : memref<1024x64xf32, #tpu.memory_space<vmem>> -> memref<128x64xf32, #tpu.memory_space<vmem>>
        %dma_start3A_57 = arith.constant 0 : i32
        %dma_start3A_58 = tpu.memref_slice %arg5[%dma_start3A_53, %dma_start3A_57] : memref<8x128xi32, #tpu.memory_space<vmem>> -> memref<1x128xi32, #tpu.memory_space<vmem>>
        %dma_start3A_59 = tpu.memref_squeeze %dma_start3A_58 : memref<1x128xi32, #tpu.memory_space<vmem>> -> memref<128xi32, #tpu.memory_space<vmem>>
        %dma_start3A_60 = arith.constant 0 : i32
        %dma_start3A_61 = arith.constant 0 : i32
        %dma_start3A_62 = tpu.memref_slice %arg2[%dma_start3A_60, %dma_start3A_61] : memref<100001x64xf32, #tpu.memory_space<hbm>> -> memref<100001x64xf32, #tpu.memory_space<hbm>>
        tpu.enqueue_indirect_dma source(%dma_start3A_62 : memref<100001x64xf32, #tpu.memory_space<hbm>>) target(%dma_start3A_56 : memref<128x64xf32, #tpu.memory_space<vmem>>) offsets(%dma_start3A_59 : memref<128xi32, #tpu.memory_space<vmem>>) semaphore(%arg7 : memref<!tpu.dma_semaphore, #tpu.memory_space<semaphore_mem>>)
        %dma_start3A_63 = arith.constant 5 : i32
        %dma_start3A_64 = arith.constant 640 : i32
        %dma_start3A_65 = arith.constant 0 : i32
        %dma_start3A_66 = tpu.memref_slice %arg6[%dma_start3A_64, %dma_start3A_65] : memref<1024x64xf32, #tpu.memory_space<vmem>> -> memref<128x64xf32, #tpu.memory_space<vmem>>
        %dma_start3A_67 = arith.constant 0 : i32
        %dma_start3A_68 = tpu.memref_slice %arg5[%dma_start3A_63, %dma_start3A_67] : memref<8x128xi32, #tpu.memory_space<vmem>> -> memref<1x128xi32, #tpu.memory_space<vmem>>
        %dma_start3A_69 = tpu.memref_squeeze %dma_start3A_68 : memref<1x128xi32, #tpu.memory_space<vmem>> -> memref<128xi32, #tpu.memory_space<vmem>>
        %dma_start3A_70 = arith.constant 0 : i32
        %dma_start3A_71 = arith.constant 0 : i32
        %dma_start3A_72 = tpu.memref_slice %arg2[%dma_start3A_70, %dma_start3A_71] : memref<100001x64xf32, #tpu.memory_space<hbm>> -> memref<100001x64xf32, #tpu.memory_space<hbm>>
        tpu.enqueue_indirect_dma source(%dma_start3A_72 : memref<100001x64xf32, #tpu.memory_space<hbm>>) target(%dma_start3A_66 : memref<128x64xf32, #tpu.memory_space<vmem>>) offsets(%dma_start3A_69 : memref<128xi32, #tpu.memory_space<vmem>>) semaphore(%arg7 : memref<!tpu.dma_semaphore, #tpu.memory_space<semaphore_mem>>)
        %dma_start3A_73 = arith.constant 6 : i32
        %dma_start3A_74 = arith.constant 768 : i32
        %dma_start3A_75 = arith.constant 0 : i32
        %dma_start3A_76 = tpu.memref_slice %arg6[%dma_start3A_74, %dma_start3A_75] : memref<1024x64xf32, #tpu.memory_space<vmem>> -> memref<128x64xf32, #tpu.memory_space<vmem>>
        %dma_start3A_77 = arith.constant 0 : i32
        %dma_start3A_78 = tpu.memref_slice %arg5[%dma_start3A_73, %dma_start3A_77] : memref<8x128xi32, #tpu.memory_space<vmem>> -> memref<1x128xi32, #tpu.memory_space<vmem>>
        %dma_start3A_79 = tpu.memref_squeeze %dma_start3A_78 : memref<1x128xi32, #tpu.memory_space<vmem>> -> memref<128xi32, #tpu.memory_space<vmem>>
        %dma_start3A_80 = arith.constant 0 : i32
        %dma_start3A_81 = arith.constant 0 : i32
        %dma_start3A_82 = tpu.memref_slice %arg2[%dma_start3A_80, %dma_start3A_81] : memref<100001x64xf32, #tpu.memory_space<hbm>> -> memref<100001x64xf32, #tpu.memory_space<hbm>>
        tpu.enqueue_indirect_dma source(%dma_start3A_82 : memref<100001x64xf32, #tpu.memory_space<hbm>>) target(%dma_start3A_76 : memref<128x64xf32, #tpu.memory_space<vmem>>) offsets(%dma_start3A_79 : memref<128xi32, #tpu.memory_space<vmem>>) semaphore(%arg7 : memref<!tpu.dma_semaphore, #tpu.memory_space<semaphore_mem>>)
        %dma_start3A_83 = arith.constant 7 : i32
        %dma_start3A_84 = arith.constant 896 : i32
        %dma_start3A_85 = arith.constant 0 : i32
        %dma_start3A_86 = tpu.memref_slice %arg6[%dma_start3A_84, %dma_start3A_85] : memref<1024x64xf32, #tpu.memory_space<vmem>> -> memref<128x64xf32, #tpu.memory_space<vmem>>
        %dma_start3A_87 = arith.constant 0 : i32
        %dma_start3A_88 = tpu.memref_slice %arg5[%dma_start3A_83, %dma_start3A_87] : memref<8x128xi32, #tpu.memory_space<vmem>> -> memref<1x128xi32, #tpu.memory_space<vmem>>
        %dma_start3A_89 = tpu.memref_squeeze %dma_start3A_88 : memref<1x128xi32, #tpu.memory_space<vmem>> -> memref<128xi32, #tpu.memory_space<vmem>>
        %dma_start3A_90 = arith.constant 0 : i32
        %dma_start3A_91 = arith.constant 0 : i32
        %dma_start3A_92 = tpu.memref_slice %arg2[%dma_start3A_90, %dma_start3A_91] : memref<100001x64xf32, #tpu.memory_space<hbm>> -> memref<100001x64xf32, #tpu.memory_space<hbm>>
        tpu.enqueue_indirect_dma source(%dma_start3A_92 : memref<100001x64xf32, #tpu.memory_space<hbm>>) target(%dma_start3A_86 : memref<128x64xf32, #tpu.memory_space<vmem>>) offsets(%dma_start3A_89 : memref<128xi32, #tpu.memory_space<vmem>>) semaphore(%arg7 : memref<!tpu.dma_semaphore, #tpu.memory_space<semaphore_mem>>)
        %dma_wait3A = arith.constant 0 : i32
        %dma_wait3A_93 = arith.constant 0 : i32
        %dma_wait3A_94 = arith.constant 0 : i32
        %dma_wait3A_95 = tpu.memref_slice %arg6[%dma_wait3A_93, %dma_wait3A_94] : memref<1024x64xf32, #tpu.memory_space<vmem>> -> memref<128x64xf32, #tpu.memory_space<vmem>>
        %dma_wait3A_96 = arith.constant 0 : i32
        %dma_wait3A_97 = tpu.memref_slice %arg5[%dma_wait3A, %dma_wait3A_96] : memref<8x128xi32, #tpu.memory_space<vmem>> -> memref<1x128xi32, #tpu.memory_space<vmem>>
        %dma_wait3A_98 = tpu.memref_squeeze %dma_wait3A_97 : memref<1x128xi32, #tpu.memory_space<vmem>> -> memref<128xi32, #tpu.memory_space<vmem>>
        %dma_wait3A_99 = arith.constant 0 : i32
        %dma_wait3A_100 = arith.constant 0 : i32
        %dma_wait3A_101 = tpu.memref_slice %arg2[%dma_wait3A_99, %dma_wait3A_100] : memref<100001x64xf32, #tpu.memory_space<hbm>> -> memref<100001x64xf32, #tpu.memory_space<hbm>>
        tpu.wait_indirect_dma semaphore(%arg7 : memref<!tpu.dma_semaphore, #tpu.memory_space<semaphore_mem>>) src(%dma_wait3A_101 : memref<100001x64xf32, #tpu.memory_space<hbm>>) dst(%dma_wait3A_95 : memref<128x64xf32, #tpu.memory_space<vmem>>)
        %dma_wait3A_102 = arith.constant 1 : i32
        %dma_wait3A_103 = arith.constant 128 : i32
        %dma_wait3A_104 = arith.constant 0 : i32
        %dma_wait3A_105 = tpu.memref_slice %arg6[%dma_wait3A_103, %dma_wait3A_104] : memref<1024x64xf32, #tpu.memory_space<vmem>> -> memref<128x64xf32, #tpu.memory_space<vmem>>
        %dma_wait3A_106 = arith.constant 0 : i32
        %dma_wait3A_107 = tpu.memref_slice %arg5[%dma_wait3A_102, %dma_wait3A_106] : memref<8x128xi32, #tpu.memory_space<vmem>> -> memref<1x128xi32, #tpu.memory_space<vmem>>
        %dma_wait3A_108 = tpu.memref_squeeze %dma_wait3A_107 : memref<1x128xi32, #tpu.memory_space<vmem>> -> memref<128xi32, #tpu.memory_space<vmem>>
        %dma_wait3A_109 = arith.constant 0 : i32
        %dma_wait3A_110 = arith.constant 0 : i32
        %dma_wait3A_111 = tpu.memref_slice %arg2[%dma_wait3A_109, %dma_wait3A_110] : memref<100001x64xf32, #tpu.memory_space<hbm>> -> memref<100001x64xf32, #tpu.memory_space<hbm>>
        tpu.wait_indirect_dma semaphore(%arg7 : memref<!tpu.dma_semaphore, #tpu.memory_space<semaphore_mem>>) src(%dma_wait3A_111 : memref<100001x64xf32, #tpu.memory_space<hbm>>) dst(%dma_wait3A_105 : memref<128x64xf32, #tpu.memory_space<vmem>>)
        %dma_wait3A_112 = arith.constant 2 : i32
        %dma_wait3A_113 = arith.constant 256 : i32
        %dma_wait3A_114 = arith.constant 0 : i32
        %dma_wait3A_115 = tpu.memref_slice %arg6[%dma_wait3A_113, %dma_wait3A_114] : memref<1024x64xf32, #tpu.memory_space<vmem>> -> memref<128x64xf32, #tpu.memory_space<vmem>>
        %dma_wait3A_116 = arith.constant 0 : i32
        %dma_wait3A_117 = tpu.memref_slice %arg5[%dma_wait3A_112, %dma_wait3A_116] : memref<8x128xi32, #tpu.memory_space<vmem>> -> memref<1x128xi32, #tpu.memory_space<vmem>>
        %dma_wait3A_118 = tpu.memref_squeeze %dma_wait3A_117 : memref<1x128xi32, #tpu.memory_space<vmem>> -> memref<128xi32, #tpu.memory_space<vmem>>
        %dma_wait3A_119 = arith.constant 0 : i32
        %dma_wait3A_120 = arith.constant 0 : i32
        %dma_wait3A_121 = tpu.memref_slice %arg2[%dma_wait3A_119, %dma_wait3A_120] : memref<100001x64xf32, #tpu.memory_space<hbm>> -> memref<100001x64xf32, #tpu.memory_space<hbm>>
        tpu.wait_indirect_dma semaphore(%arg7 : memref<!tpu.dma_semaphore, #tpu.memory_space<semaphore_mem>>) src(%dma_wait3A_121 : memref<100001x64xf32, #tpu.memory_space<hbm>>) dst(%dma_wait3A_115 : memref<128x64xf32, #tpu.memory_space<vmem>>)
        %dma_wait3A_122 = arith.constant 3 : i32
        %dma_wait3A_123 = arith.constant 384 : i32
        %dma_wait3A_124 = arith.constant 0 : i32
        %dma_wait3A_125 = tpu.memref_slice %arg6[%dma_wait3A_123, %dma_wait3A_124] : memref<1024x64xf32, #tpu.memory_space<vmem>> -> memref<128x64xf32, #tpu.memory_space<vmem>>
        %dma_wait3A_126 = arith.constant 0 : i32
        %dma_wait3A_127 = tpu.memref_slice %arg5[%dma_wait3A_122, %dma_wait3A_126] : memref<8x128xi32, #tpu.memory_space<vmem>> -> memref<1x128xi32, #tpu.memory_space<vmem>>
        %dma_wait3A_128 = tpu.memref_squeeze %dma_wait3A_127 : memref<1x128xi32, #tpu.memory_space<vmem>> -> memref<128xi32, #tpu.memory_space<vmem>>
        %dma_wait3A_129 = arith.constant 0 : i32
        %dma_wait3A_130 = arith.constant 0 : i32
        %dma_wait3A_131 = tpu.memref_slice %arg2[%dma_wait3A_129, %dma_wait3A_130] : memref<100001x64xf32, #tpu.memory_space<hbm>> -> memref<100001x64xf32, #tpu.memory_space<hbm>>
        tpu.wait_indirect_dma semaphore(%arg7 : memref<!tpu.dma_semaphore, #tpu.memory_space<semaphore_mem>>) src(%dma_wait3A_131 : memref<100001x64xf32, #tpu.memory_space<hbm>>) dst(%dma_wait3A_125 : memref<128x64xf32, #tpu.memory_space<vmem>>)
        %dma_wait3A_132 = arith.constant 4 : i32
        %dma_wait3A_133 = arith.constant 512 : i32
        %dma_wait3A_134 = arith.constant 0 : i32
        %dma_wait3A_135 = tpu.memref_slice %arg6[%dma_wait3A_133, %dma_wait3A_134] : memref<1024x64xf32, #tpu.memory_space<vmem>> -> memref<128x64xf32, #tpu.memory_space<vmem>>
        %dma_wait3A_136 = arith.constant 0 : i32
        %dma_wait3A_137 = tpu.memref_slice %arg5[%dma_wait3A_132, %dma_wait3A_136] : memref<8x128xi32, #tpu.memory_space<vmem>> -> memref<1x128xi32, #tpu.memory_space<vmem>>
        %dma_wait3A_138 = tpu.memref_squeeze %dma_wait3A_137 : memref<1x128xi32, #tpu.memory_space<vmem>> -> memref<128xi32, #tpu.memory_space<vmem>>
        %dma_wait3A_139 = arith.constant 0 : i32
        %dma_wait3A_140 = arith.constant 0 : i32
        %dma_wait3A_141 = tpu.memref_slice %arg2[%dma_wait3A_139, %dma_wait3A_140] : memref<100001x64xf32, #tpu.memory_space<hbm>> -> memref<100001x64xf32, #tpu.memory_space<hbm>>
        tpu.wait_indirect_dma semaphore(%arg7 : memref<!tpu.dma_semaphore, #tpu.memory_space<semaphore_mem>>) src(%dma_wait3A_141 : memref<100001x64xf32, #tpu.memory_space<hbm>>) dst(%dma_wait3A_135 : memref<128x64xf32, #tpu.memory_space<vmem>>)
        %dma_wait3A_142 = arith.constant 5 : i32
        %dma_wait3A_143 = arith.constant 640 : i32
        %dma_wait3A_144 = arith.constant 0 : i32
        %dma_wait3A_145 = tpu.memref_slice %arg6[%dma_wait3A_143, %dma_wait3A_144] : memref<1024x64xf32, #tpu.memory_space<vmem>> -> memref<128x64xf32, #tpu.memory_space<vmem>>
        %dma_wait3A_146 = arith.constant 0 : i32
        %dma_wait3A_147 = tpu.memref_slice %arg5[%dma_wait3A_142, %dma_wait3A_146] : memref<8x128xi32, #tpu.memory_space<vmem>> -> memref<1x128xi32, #tpu.memory_space<vmem>>
        %dma_wait3A_148 = tpu.memref_squeeze %dma_wait3A_147 : memref<1x128xi32, #tpu.memory_space<vmem>> -> memref<128xi32, #tpu.memory_space<vmem>>
        %dma_wait3A_149 = arith.constant 0 : i32
        %dma_wait3A_150 = arith.constant 0 : i32
        %dma_wait3A_151 = tpu.memref_slice %arg2[%dma_wait3A_149, %dma_wait3A_150] : memref<100001x64xf32, #tpu.memory_space<hbm>> -> memref<100001x64xf32, #tpu.memory_space<hbm>>
        tpu.wait_indirect_dma semaphore(%arg7 : memref<!tpu.dma_semaphore, #tpu.memory_space<semaphore_mem>>) src(%dma_wait3A_151 : memref<100001x64xf32, #tpu.memory_space<hbm>>) dst(%dma_wait3A_145 : memref<128x64xf32, #tpu.memory_space<vmem>>)
        %dma_wait3A_152 = arith.constant 6 : i32
        %dma_wait3A_153 = arith.constant 768 : i32
        %dma_wait3A_154 = arith.constant 0 : i32
        %dma_wait3A_155 = tpu.memref_slice %arg6[%dma_wait3A_153, %dma_wait3A_154] : memref<1024x64xf32, #tpu.memory_space<vmem>> -> memref<128x64xf32, #tpu.memory_space<vmem>>
        %dma_wait3A_156 = arith.constant 0 : i32
        %dma_wait3A_157 = tpu.memref_slice %arg5[%dma_wait3A_152, %dma_wait3A_156] : memref<8x128xi32, #tpu.memory_space<vmem>> -> memref<1x128xi32, #tpu.memory_space<vmem>>
        %dma_wait3A_158 = tpu.memref_squeeze %dma_wait3A_157 : memref<1x128xi32, #tpu.memory_space<vmem>> -> memref<128xi32, #tpu.memory_space<vmem>>
        %dma_wait3A_159 = arith.constant 0 : i32
        %dma_wait3A_160 = arith.constant 0 : i32
        %dma_wait3A_161 = tpu.memref_slice %arg2[%dma_wait3A_159, %dma_wait3A_160] : memref<100001x64xf32, #tpu.memory_space<hbm>> -> memref<100001x64xf32, #tpu.memory_space<hbm>>
        tpu.wait_indirect_dma semaphore(%arg7 : memref<!tpu.dma_semaphore, #tpu.memory_space<semaphore_mem>>) src(%dma_wait3A_161 : memref<100001x64xf32, #tpu.memory_space<hbm>>) dst(%dma_wait3A_155 : memref<128x64xf32, #tpu.memory_space<vmem>>)
        %dma_wait3A_162 = arith.constant 7 : i32
        %dma_wait3A_163 = arith.constant 896 : i32
        %dma_wait3A_164 = arith.constant 0 : i32
        %dma_wait3A_165 = tpu.memref_slice %arg6[%dma_wait3A_163, %dma_wait3A_164] : memref<1024x64xf32, #tpu.memory_space<vmem>> -> memref<128x64xf32, #tpu.memory_space<vmem>>
        %dma_wait3A_166 = arith.constant 0 : i32
        %dma_wait3A_167 = tpu.memref_slice %arg5[%dma_wait3A_162, %dma_wait3A_166] : memref<8x128xi32, #tpu.memory_space<vmem>> -> memref<1x128xi32, #tpu.memory_space<vmem>>
        %dma_wait3A_168 = tpu.memref_squeeze %dma_wait3A_167 : memref<1x128xi32, #tpu.memory_space<vmem>> -> memref<128xi32, #tpu.memory_space<vmem>>
        %dma_wait3A_169 = arith.constant 0 : i32
        %dma_wait3A_170 = arith.constant 0 : i32
        %dma_wait3A_171 = tpu.memref_slice %arg2[%dma_wait3A_169, %dma_wait3A_170] : memref<100001x64xf32, #tpu.memory_space<hbm>> -> memref<100001x64xf32, #tpu.memory_space<hbm>>
        tpu.wait_indirect_dma semaphore(%arg7 : memref<!tpu.dma_semaphore, #tpu.memory_space<semaphore_mem>>) src(%dma_wait3A_171 : memref<100001x64xf32, #tpu.memory_space<hbm>>) dst(%dma_wait3A_165 : memref<128x64xf32, #tpu.memory_space<vmem>>)
        %mul3A_172 = arith.constant 1024 : i32
        %mul3A_173 = arith.muli %add3A_9, %mul3A_172 : i32
        %multiple_of3A_174 = tpu.assume_multiple %mul3A_173, 8 : i32
        "tpu.region"() ({
          %run_scoped3A = tpu.sem_alloc : memref<!tpu.dma_semaphore, #tpu.memory_space<semaphore_mem>>
          %dma_start3A_175 = arith.constant 0 : i32
          %dma_start3A_176 = tpu.memref_slice %arg4[%multiple_of3A_174, %dma_start3A_175] : memref<122880x64xf32, #tpu.memory_space<hbm>> -> memref<1024x64xf32, #tpu.memory_space<hbm>>
          %dma_start3A_177 = arith.constant 0 : i32
          %dma_start3A_178 = tpu.memref_slice %arg4[%multiple_of3A_174, %dma_start3A_177] : memref<122880x64xf32, #tpu.memory_space<hbm>> -> memref<1024x64xf32, #tpu.memory_space<hbm>>
          tpu.enqueue_dma source(%arg6 : memref<1024x64xf32, #tpu.memory_space<vmem>>) target(%dma_start3A_178 : memref<1024x64xf32, #tpu.memory_space<hbm>>) target_semaphore(%run_scoped3A : memref<!tpu.dma_semaphore, #tpu.memory_space<semaphore_mem>>)
          %dma_wait3A_179 = arith.constant 0 : i32
          %dma_wait3A_180 = tpu.memref_slice %arg4[%multiple_of3A_174, %dma_wait3A_179] : memref<122880x64xf32, #tpu.memory_space<hbm>> -> memref<1024x64xf32, #tpu.memory_space<hbm>>
          %dma_wait3A_181 = arith.constant 0 : i32
          %dma_wait3A_182 = tpu.memref_slice %arg4[%multiple_of3A_174, %dma_wait3A_181] : memref<122880x64xf32, #tpu.memory_space<hbm>> -> memref<1024x64xf32, #tpu.memory_space<hbm>>
          tpu.wait_dma2 semaphore(%run_scoped3A : memref<!tpu.dma_semaphore, #tpu.memory_space<semaphore_mem>>) src(%arg6 : memref<1024x64xf32, #tpu.memory_space<vmem>>) dst(%dma_wait3A_182 : memref<1024x64xf32, #tpu.memory_space<hbm>>)
          tpu.yield
        }) : () -> ()
      } else {
      }
    }
    %scan3A_5 = arith.constant 4 : i32
    return
  }
}

#map = affine_map<(d0, d1) -> (0, 0)>
module attributes {stable_mosaic.version = 14 : i64} {
  func.func @gather(%arg0: i32, %arg1: i32, %arg2: memref<100001x64xf32, #tpu.memory_space<hbm>>, %arg3: memref<640x128xi32, #tpu.memory_space<hbm>>, %arg4: memref<81920x64xf32, #tpu.memory_space<hbm>>, %arg5: memref<8x128xi32, #tpu.memory_space<vmem>>, %arg6: memref<1024x64xf32, #tpu.memory_space<vmem>>, %arg7: memref<!tpu.dma_semaphore, #tpu.memory_space<semaphore_mem>>) attributes {dimension_semantics = [#tpu.dimension_semantics<core_parallel>, #tpu.dimension_semantics<subcore_parallel>], iteration_bounds = array<i64: 2, 16>, scalar_prefetch = 0 : i64, scratch_operands = 3 : i64, tpu.core_type = #tpu.core_type<sc_vector_subcore>, window_params = [{transform_indices = #map}, {transform_indices = #map}, {transform_indices = #map}]} {
    %mul3A = arith.constant 2 : i32
    %mul3A_0 = arith.muli %arg1, %mul3A : i32
    %add3A = arith.addi %mul3A_0, %arg0 : i32
    %scan3A = arith.constant 0 : i32
    %scan3A_1 = arith.constant 0 : i32
    %scan3A_2 = arith.constant 3 : i32
    %scan3A_3 = arith.addi %scan3A_1, %scan3A_2 : i32
    %scan3A_4 = arith.constant 1 : i32
    scf.for %scan3A_6 = %scan3A_1 to %scan3A_3 step %scan3A_4  : i32 {
      %mul3A_7 = arith.constant 32 : i32
      %mul3A_8 = arith.muli %scan3A_6, %mul3A_7 : i32
      %add3A_9 = arith.addi %mul3A_8, %add3A : i32
      %lt3A = arith.constant 80 : i32
      %lt3A_10 = arith.cmpi slt, %add3A_9, %lt3A : i32
      %convert_element_type3A = arith.extui %lt3A_10 : i1 to i32
      %cond3A = arith.constant 0 : i32
      %cond3A_11 = arith.cmpi ne, %convert_element_type3A, %cond3A : i32
      scf.if %cond3A_11 {
        %mul3A_12 = arith.constant 8 : i32
        %mul3A_13 = arith.muli %add3A_9, %mul3A_12 : i32
        %multiple_of3A = tpu.assume_multiple %mul3A_13, 8 : i32
        "tpu.region"() ({
          %run_scoped3A = tpu.sem_alloc : memref<!tpu.dma_semaphore, #tpu.memory_space<semaphore_mem>>
          %dma_start3A_175 = arith.constant 0 : i32
          %dma_start3A_176 = tpu.memref_slice %arg3[%multiple_of3A, %dma_start3A_175] : memref<640x128xi32, #tpu.memory_space<hbm>> -> memref<8x128xi32, #tpu.memory_space<hbm>>
          %dma_start3A_177 = arith.constant 0 : i32
          %dma_start3A_178 = tpu.memref_slice %arg3[%multiple_of3A, %dma_start3A_177] : memref<640x128xi32, #tpu.memory_space<hbm>> -> memref<8x128xi32, #tpu.memory_space<hbm>>
          tpu.enqueue_dma source(%dma_start3A_178 : memref<8x128xi32, #tpu.memory_space<hbm>>) target(%arg5 : memref<8x128xi32, #tpu.memory_space<vmem>>) target_semaphore(%run_scoped3A : memref<!tpu.dma_semaphore, #tpu.memory_space<semaphore_mem>>)
          %dma_wait3A_179 = arith.constant 0 : i32
          %dma_wait3A_180 = tpu.memref_slice %arg3[%multiple_of3A, %dma_wait3A_179] : memref<640x128xi32, #tpu.memory_space<hbm>> -> memref<8x128xi32, #tpu.memory_space<hbm>>
          %dma_wait3A_181 = arith.constant 0 : i32
          %dma_wait3A_182 = tpu.memref_slice %arg3[%multiple_of3A, %dma_wait3A_181] : memref<640x128xi32, #tpu.memory_space<hbm>> -> memref<8x128xi32, #tpu.memory_space<hbm>>
          tpu.wait_dma2 semaphore(%run_scoped3A : memref<!tpu.dma_semaphore, #tpu.memory_space<semaphore_mem>>) src(%dma_wait3A_182 : memref<8x128xi32, #tpu.memory_space<hbm>>) dst(%arg5 : memref<8x128xi32, #tpu.memory_space<vmem>>)
          tpu.yield
        }) : () -> ()
        %dma_start3A = arith.constant 0 : i32
        %dma_start3A_14 = arith.constant 0 : i32
        %dma_start3A_15 = arith.constant 0 : i32
        %dma_start3A_16 = tpu.memref_slice %arg6[%dma_start3A_14, %dma_start3A_15] : memref<1024x64xf32, #tpu.memory_space<vmem>> -> memref<128x64xf32, #tpu.memory_space<vmem>>
        %dma_start3A_17 = arith.constant 0 : i32
        %dma_start3A_18 = tpu.memref_slice %arg5[%dma_start3A, %dma_start3A_17] : memref<8x128xi32, #tpu.memory_space<vmem>> -> memref<1x128xi32, #tpu.memory_space<vmem>>
        %dma_start3A_19 = tpu.memref_squeeze %dma_start3A_18 : memref<1x128xi32, #tpu.memory_space<vmem>> -> memref<128xi32, #tpu.memory_space<vmem>>
        %dma_start3A_20 = arith.constant 0 : i32
        %dma_start3A_21 = arith.constant 0 : i32
        %dma_start3A_22 = tpu.memref_slice %arg2[%dma_start3A_20, %dma_start3A_21] : memref<100001x64xf32, #tpu.memory_space<hbm>> -> memref<100001x64xf32, #tpu.memory_space<hbm>>
        tpu.enqueue_indirect_dma source(%dma_start3A_22 : memref<100001x64xf32, #tpu.memory_space<hbm>>) target(%dma_start3A_16 : memref<128x64xf32, #tpu.memory_space<vmem>>) offsets(%dma_start3A_19 : memref<128xi32, #tpu.memory_space<vmem>>) semaphore(%arg7 : memref<!tpu.dma_semaphore, #tpu.memory_space<semaphore_mem>>)
        %dma_start3A_23 = arith.constant 1 : i32
        %dma_start3A_24 = arith.constant 128 : i32
        %dma_start3A_25 = arith.constant 0 : i32
        %dma_start3A_26 = tpu.memref_slice %arg6[%dma_start3A_24, %dma_start3A_25] : memref<1024x64xf32, #tpu.memory_space<vmem>> -> memref<128x64xf32, #tpu.memory_space<vmem>>
        %dma_start3A_27 = arith.constant 0 : i32
        %dma_start3A_28 = tpu.memref_slice %arg5[%dma_start3A_23, %dma_start3A_27] : memref<8x128xi32, #tpu.memory_space<vmem>> -> memref<1x128xi32, #tpu.memory_space<vmem>>
        %dma_start3A_29 = tpu.memref_squeeze %dma_start3A_28 : memref<1x128xi32, #tpu.memory_space<vmem>> -> memref<128xi32, #tpu.memory_space<vmem>>
        %dma_start3A_30 = arith.constant 0 : i32
        %dma_start3A_31 = arith.constant 0 : i32
        %dma_start3A_32 = tpu.memref_slice %arg2[%dma_start3A_30, %dma_start3A_31] : memref<100001x64xf32, #tpu.memory_space<hbm>> -> memref<100001x64xf32, #tpu.memory_space<hbm>>
        tpu.enqueue_indirect_dma source(%dma_start3A_32 : memref<100001x64xf32, #tpu.memory_space<hbm>>) target(%dma_start3A_26 : memref<128x64xf32, #tpu.memory_space<vmem>>) offsets(%dma_start3A_29 : memref<128xi32, #tpu.memory_space<vmem>>) semaphore(%arg7 : memref<!tpu.dma_semaphore, #tpu.memory_space<semaphore_mem>>)
        %dma_start3A_33 = arith.constant 2 : i32
        %dma_start3A_34 = arith.constant 256 : i32
        %dma_start3A_35 = arith.constant 0 : i32
        %dma_start3A_36 = tpu.memref_slice %arg6[%dma_start3A_34, %dma_start3A_35] : memref<1024x64xf32, #tpu.memory_space<vmem>> -> memref<128x64xf32, #tpu.memory_space<vmem>>
        %dma_start3A_37 = arith.constant 0 : i32
        %dma_start3A_38 = tpu.memref_slice %arg5[%dma_start3A_33, %dma_start3A_37] : memref<8x128xi32, #tpu.memory_space<vmem>> -> memref<1x128xi32, #tpu.memory_space<vmem>>
        %dma_start3A_39 = tpu.memref_squeeze %dma_start3A_38 : memref<1x128xi32, #tpu.memory_space<vmem>> -> memref<128xi32, #tpu.memory_space<vmem>>
        %dma_start3A_40 = arith.constant 0 : i32
        %dma_start3A_41 = arith.constant 0 : i32
        %dma_start3A_42 = tpu.memref_slice %arg2[%dma_start3A_40, %dma_start3A_41] : memref<100001x64xf32, #tpu.memory_space<hbm>> -> memref<100001x64xf32, #tpu.memory_space<hbm>>
        tpu.enqueue_indirect_dma source(%dma_start3A_42 : memref<100001x64xf32, #tpu.memory_space<hbm>>) target(%dma_start3A_36 : memref<128x64xf32, #tpu.memory_space<vmem>>) offsets(%dma_start3A_39 : memref<128xi32, #tpu.memory_space<vmem>>) semaphore(%arg7 : memref<!tpu.dma_semaphore, #tpu.memory_space<semaphore_mem>>)
        %dma_start3A_43 = arith.constant 3 : i32
        %dma_start3A_44 = arith.constant 384 : i32
        %dma_start3A_45 = arith.constant 0 : i32
        %dma_start3A_46 = tpu.memref_slice %arg6[%dma_start3A_44, %dma_start3A_45] : memref<1024x64xf32, #tpu.memory_space<vmem>> -> memref<128x64xf32, #tpu.memory_space<vmem>>
        %dma_start3A_47 = arith.constant 0 : i32
        %dma_start3A_48 = tpu.memref_slice %arg5[%dma_start3A_43, %dma_start3A_47] : memref<8x128xi32, #tpu.memory_space<vmem>> -> memref<1x128xi32, #tpu.memory_space<vmem>>
        %dma_start3A_49 = tpu.memref_squeeze %dma_start3A_48 : memref<1x128xi32, #tpu.memory_space<vmem>> -> memref<128xi32, #tpu.memory_space<vmem>>
        %dma_start3A_50 = arith.constant 0 : i32
        %dma_start3A_51 = arith.constant 0 : i32
        %dma_start3A_52 = tpu.memref_slice %arg2[%dma_start3A_50, %dma_start3A_51] : memref<100001x64xf32, #tpu.memory_space<hbm>> -> memref<100001x64xf32, #tpu.memory_space<hbm>>
        tpu.enqueue_indirect_dma source(%dma_start3A_52 : memref<100001x64xf32, #tpu.memory_space<hbm>>) target(%dma_start3A_46 : memref<128x64xf32, #tpu.memory_space<vmem>>) offsets(%dma_start3A_49 : memref<128xi32, #tpu.memory_space<vmem>>) semaphore(%arg7 : memref<!tpu.dma_semaphore, #tpu.memory_space<semaphore_mem>>)
        %dma_start3A_53 = arith.constant 4 : i32
        %dma_start3A_54 = arith.constant 512 : i32
        %dma_start3A_55 = arith.constant 0 : i32
        %dma_start3A_56 = tpu.memref_slice %arg6[%dma_start3A_54, %dma_start3A_55] : memref<1024x64xf32, #tpu.memory_space<vmem>> -> memref<128x64xf32, #tpu.memory_space<vmem>>
        %dma_start3A_57 = arith.constant 0 : i32
        %dma_start3A_58 = tpu.memref_slice %arg5[%dma_start3A_53, %dma_start3A_57] : memref<8x128xi32, #tpu.memory_space<vmem>> -> memref<1x128xi32, #tpu.memory_space<vmem>>
        %dma_start3A_59 = tpu.memref_squeeze %dma_start3A_58 : memref<1x128xi32, #tpu.memory_space<vmem>> -> memref<128xi32, #tpu.memory_space<vmem>>
        %dma_start3A_60 = arith.constant 0 : i32
        %dma_start3A_61 = arith.constant 0 : i32
        %dma_start3A_62 = tpu.memref_slice %arg2[%dma_start3A_60, %dma_start3A_61] : memref<100001x64xf32, #tpu.memory_space<hbm>> -> memref<100001x64xf32, #tpu.memory_space<hbm>>
        tpu.enqueue_indirect_dma source(%dma_start3A_62 : memref<100001x64xf32, #tpu.memory_space<hbm>>) target(%dma_start3A_56 : memref<128x64xf32, #tpu.memory_space<vmem>>) offsets(%dma_start3A_59 : memref<128xi32, #tpu.memory_space<vmem>>) semaphore(%arg7 : memref<!tpu.dma_semaphore, #tpu.memory_space<semaphore_mem>>)
        %dma_start3A_63 = arith.constant 5 : i32
        %dma_start3A_64 = arith.constant 640 : i32
        %dma_start3A_65 = arith.constant 0 : i32
        %dma_start3A_66 = tpu.memref_slice %arg6[%dma_start3A_64, %dma_start3A_65] : memref<1024x64xf32, #tpu.memory_space<vmem>> -> memref<128x64xf32, #tpu.memory_space<vmem>>
        %dma_start3A_67 = arith.constant 0 : i32
        %dma_start3A_68 = tpu.memref_slice %arg5[%dma_start3A_63, %dma_start3A_67] : memref<8x128xi32, #tpu.memory_space<vmem>> -> memref<1x128xi32, #tpu.memory_space<vmem>>
        %dma_start3A_69 = tpu.memref_squeeze %dma_start3A_68 : memref<1x128xi32, #tpu.memory_space<vmem>> -> memref<128xi32, #tpu.memory_space<vmem>>
        %dma_start3A_70 = arith.constant 0 : i32
        %dma_start3A_71 = arith.constant 0 : i32
        %dma_start3A_72 = tpu.memref_slice %arg2[%dma_start3A_70, %dma_start3A_71] : memref<100001x64xf32, #tpu.memory_space<hbm>> -> memref<100001x64xf32, #tpu.memory_space<hbm>>
        tpu.enqueue_indirect_dma source(%dma_start3A_72 : memref<100001x64xf32, #tpu.memory_space<hbm>>) target(%dma_start3A_66 : memref<128x64xf32, #tpu.memory_space<vmem>>) offsets(%dma_start3A_69 : memref<128xi32, #tpu.memory_space<vmem>>) semaphore(%arg7 : memref<!tpu.dma_semaphore, #tpu.memory_space<semaphore_mem>>)
        %dma_start3A_73 = arith.constant 6 : i32
        %dma_start3A_74 = arith.constant 768 : i32
        %dma_start3A_75 = arith.constant 0 : i32
        %dma_start3A_76 = tpu.memref_slice %arg6[%dma_start3A_74, %dma_start3A_75] : memref<1024x64xf32, #tpu.memory_space<vmem>> -> memref<128x64xf32, #tpu.memory_space<vmem>>
        %dma_start3A_77 = arith.constant 0 : i32
        %dma_start3A_78 = tpu.memref_slice %arg5[%dma_start3A_73, %dma_start3A_77] : memref<8x128xi32, #tpu.memory_space<vmem>> -> memref<1x128xi32, #tpu.memory_space<vmem>>
        %dma_start3A_79 = tpu.memref_squeeze %dma_start3A_78 : memref<1x128xi32, #tpu.memory_space<vmem>> -> memref<128xi32, #tpu.memory_space<vmem>>
        %dma_start3A_80 = arith.constant 0 : i32
        %dma_start3A_81 = arith.constant 0 : i32
        %dma_start3A_82 = tpu.memref_slice %arg2[%dma_start3A_80, %dma_start3A_81] : memref<100001x64xf32, #tpu.memory_space<hbm>> -> memref<100001x64xf32, #tpu.memory_space<hbm>>
        tpu.enqueue_indirect_dma source(%dma_start3A_82 : memref<100001x64xf32, #tpu.memory_space<hbm>>) target(%dma_start3A_76 : memref<128x64xf32, #tpu.memory_space<vmem>>) offsets(%dma_start3A_79 : memref<128xi32, #tpu.memory_space<vmem>>) semaphore(%arg7 : memref<!tpu.dma_semaphore, #tpu.memory_space<semaphore_mem>>)
        %dma_start3A_83 = arith.constant 7 : i32
        %dma_start3A_84 = arith.constant 896 : i32
        %dma_start3A_85 = arith.constant 0 : i32
        %dma_start3A_86 = tpu.memref_slice %arg6[%dma_start3A_84, %dma_start3A_85] : memref<1024x64xf32, #tpu.memory_space<vmem>> -> memref<128x64xf32, #tpu.memory_space<vmem>>
        %dma_start3A_87 = arith.constant 0 : i32
        %dma_start3A_88 = tpu.memref_slice %arg5[%dma_start3A_83, %dma_start3A_87] : memref<8x128xi32, #tpu.memory_space<vmem>> -> memref<1x128xi32, #tpu.memory_space<vmem>>
        %dma_start3A_89 = tpu.memref_squeeze %dma_start3A_88 : memref<1x128xi32, #tpu.memory_space<vmem>> -> memref<128xi32, #tpu.memory_space<vmem>>
        %dma_start3A_90 = arith.constant 0 : i32
        %dma_start3A_91 = arith.constant 0 : i32
        %dma_start3A_92 = tpu.memref_slice %arg2[%dma_start3A_90, %dma_start3A_91] : memref<100001x64xf32, #tpu.memory_space<hbm>> -> memref<100001x64xf32, #tpu.memory_space<hbm>>
        tpu.enqueue_indirect_dma source(%dma_start3A_92 : memref<100001x64xf32, #tpu.memory_space<hbm>>) target(%dma_start3A_86 : memref<128x64xf32, #tpu.memory_space<vmem>>) offsets(%dma_start3A_89 : memref<128xi32, #tpu.memory_space<vmem>>) semaphore(%arg7 : memref<!tpu.dma_semaphore, #tpu.memory_space<semaphore_mem>>)
        %dma_wait3A = arith.constant 0 : i32
        %dma_wait3A_93 = arith.constant 0 : i32
        %dma_wait3A_94 = arith.constant 0 : i32
        %dma_wait3A_95 = tpu.memref_slice %arg6[%dma_wait3A_93, %dma_wait3A_94] : memref<1024x64xf32, #tpu.memory_space<vmem>> -> memref<128x64xf32, #tpu.memory_space<vmem>>
        %dma_wait3A_96 = arith.constant 0 : i32
        %dma_wait3A_97 = tpu.memref_slice %arg5[%dma_wait3A, %dma_wait3A_96] : memref<8x128xi32, #tpu.memory_space<vmem>> -> memref<1x128xi32, #tpu.memory_space<vmem>>
        %dma_wait3A_98 = tpu.memref_squeeze %dma_wait3A_97 : memref<1x128xi32, #tpu.memory_space<vmem>> -> memref<128xi32, #tpu.memory_space<vmem>>
        %dma_wait3A_99 = arith.constant 0 : i32
        %dma_wait3A_100 = arith.constant 0 : i32
        %dma_wait3A_101 = tpu.memref_slice %arg2[%dma_wait3A_99, %dma_wait3A_100] : memref<100001x64xf32, #tpu.memory_space<hbm>> -> memref<100001x64xf32, #tpu.memory_space<hbm>>
        tpu.wait_indirect_dma semaphore(%arg7 : memref<!tpu.dma_semaphore, #tpu.memory_space<semaphore_mem>>) src(%dma_wait3A_101 : memref<100001x64xf32, #tpu.memory_space<hbm>>) dst(%dma_wait3A_95 : memref<128x64xf32, #tpu.memory_space<vmem>>)
        %dma_wait3A_102 = arith.constant 1 : i32
        %dma_wait3A_103 = arith.constant 128 : i32
        %dma_wait3A_104 = arith.constant 0 : i32
        %dma_wait3A_105 = tpu.memref_slice %arg6[%dma_wait3A_103, %dma_wait3A_104] : memref<1024x64xf32, #tpu.memory_space<vmem>> -> memref<128x64xf32, #tpu.memory_space<vmem>>
        %dma_wait3A_106 = arith.constant 0 : i32
        %dma_wait3A_107 = tpu.memref_slice %arg5[%dma_wait3A_102, %dma_wait3A_106] : memref<8x128xi32, #tpu.memory_space<vmem>> -> memref<1x128xi32, #tpu.memory_space<vmem>>
        %dma_wait3A_108 = tpu.memref_squeeze %dma_wait3A_107 : memref<1x128xi32, #tpu.memory_space<vmem>> -> memref<128xi32, #tpu.memory_space<vmem>>
        %dma_wait3A_109 = arith.constant 0 : i32
        %dma_wait3A_110 = arith.constant 0 : i32
        %dma_wait3A_111 = tpu.memref_slice %arg2[%dma_wait3A_109, %dma_wait3A_110] : memref<100001x64xf32, #tpu.memory_space<hbm>> -> memref<100001x64xf32, #tpu.memory_space<hbm>>
        tpu.wait_indirect_dma semaphore(%arg7 : memref<!tpu.dma_semaphore, #tpu.memory_space<semaphore_mem>>) src(%dma_wait3A_111 : memref<100001x64xf32, #tpu.memory_space<hbm>>) dst(%dma_wait3A_105 : memref<128x64xf32, #tpu.memory_space<vmem>>)
        %dma_wait3A_112 = arith.constant 2 : i32
        %dma_wait3A_113 = arith.constant 256 : i32
        %dma_wait3A_114 = arith.constant 0 : i32
        %dma_wait3A_115 = tpu.memref_slice %arg6[%dma_wait3A_113, %dma_wait3A_114] : memref<1024x64xf32, #tpu.memory_space<vmem>> -> memref<128x64xf32, #tpu.memory_space<vmem>>
        %dma_wait3A_116 = arith.constant 0 : i32
        %dma_wait3A_117 = tpu.memref_slice %arg5[%dma_wait3A_112, %dma_wait3A_116] : memref<8x128xi32, #tpu.memory_space<vmem>> -> memref<1x128xi32, #tpu.memory_space<vmem>>
        %dma_wait3A_118 = tpu.memref_squeeze %dma_wait3A_117 : memref<1x128xi32, #tpu.memory_space<vmem>> -> memref<128xi32, #tpu.memory_space<vmem>>
        %dma_wait3A_119 = arith.constant 0 : i32
        %dma_wait3A_120 = arith.constant 0 : i32
        %dma_wait3A_121 = tpu.memref_slice %arg2[%dma_wait3A_119, %dma_wait3A_120] : memref<100001x64xf32, #tpu.memory_space<hbm>> -> memref<100001x64xf32, #tpu.memory_space<hbm>>
        tpu.wait_indirect_dma semaphore(%arg7 : memref<!tpu.dma_semaphore, #tpu.memory_space<semaphore_mem>>) src(%dma_wait3A_121 : memref<100001x64xf32, #tpu.memory_space<hbm>>) dst(%dma_wait3A_115 : memref<128x64xf32, #tpu.memory_space<vmem>>)
        %dma_wait3A_122 = arith.constant 3 : i32
        %dma_wait3A_123 = arith.constant 384 : i32
        %dma_wait3A_124 = arith.constant 0 : i32
        %dma_wait3A_125 = tpu.memref_slice %arg6[%dma_wait3A_123, %dma_wait3A_124] : memref<1024x64xf32, #tpu.memory_space<vmem>> -> memref<128x64xf32, #tpu.memory_space<vmem>>
        %dma_wait3A_126 = arith.constant 0 : i32
        %dma_wait3A_127 = tpu.memref_slice %arg5[%dma_wait3A_122, %dma_wait3A_126] : memref<8x128xi32, #tpu.memory_space<vmem>> -> memref<1x128xi32, #tpu.memory_space<vmem>>
        %dma_wait3A_128 = tpu.memref_squeeze %dma_wait3A_127 : memref<1x128xi32, #tpu.memory_space<vmem>> -> memref<128xi32, #tpu.memory_space<vmem>>
        %dma_wait3A_129 = arith.constant 0 : i32
        %dma_wait3A_130 = arith.constant 0 : i32
        %dma_wait3A_131 = tpu.memref_slice %arg2[%dma_wait3A_129, %dma_wait3A_130] : memref<100001x64xf32, #tpu.memory_space<hbm>> -> memref<100001x64xf32, #tpu.memory_space<hbm>>
        tpu.wait_indirect_dma semaphore(%arg7 : memref<!tpu.dma_semaphore, #tpu.memory_space<semaphore_mem>>) src(%dma_wait3A_131 : memref<100001x64xf32, #tpu.memory_space<hbm>>) dst(%dma_wait3A_125 : memref<128x64xf32, #tpu.memory_space<vmem>>)
        %dma_wait3A_132 = arith.constant 4 : i32
        %dma_wait3A_133 = arith.constant 512 : i32
        %dma_wait3A_134 = arith.constant 0 : i32
        %dma_wait3A_135 = tpu.memref_slice %arg6[%dma_wait3A_133, %dma_wait3A_134] : memref<1024x64xf32, #tpu.memory_space<vmem>> -> memref<128x64xf32, #tpu.memory_space<vmem>>
        %dma_wait3A_136 = arith.constant 0 : i32
        %dma_wait3A_137 = tpu.memref_slice %arg5[%dma_wait3A_132, %dma_wait3A_136] : memref<8x128xi32, #tpu.memory_space<vmem>> -> memref<1x128xi32, #tpu.memory_space<vmem>>
        %dma_wait3A_138 = tpu.memref_squeeze %dma_wait3A_137 : memref<1x128xi32, #tpu.memory_space<vmem>> -> memref<128xi32, #tpu.memory_space<vmem>>
        %dma_wait3A_139 = arith.constant 0 : i32
        %dma_wait3A_140 = arith.constant 0 : i32
        %dma_wait3A_141 = tpu.memref_slice %arg2[%dma_wait3A_139, %dma_wait3A_140] : memref<100001x64xf32, #tpu.memory_space<hbm>> -> memref<100001x64xf32, #tpu.memory_space<hbm>>
        tpu.wait_indirect_dma semaphore(%arg7 : memref<!tpu.dma_semaphore, #tpu.memory_space<semaphore_mem>>) src(%dma_wait3A_141 : memref<100001x64xf32, #tpu.memory_space<hbm>>) dst(%dma_wait3A_135 : memref<128x64xf32, #tpu.memory_space<vmem>>)
        %dma_wait3A_142 = arith.constant 5 : i32
        %dma_wait3A_143 = arith.constant 640 : i32
        %dma_wait3A_144 = arith.constant 0 : i32
        %dma_wait3A_145 = tpu.memref_slice %arg6[%dma_wait3A_143, %dma_wait3A_144] : memref<1024x64xf32, #tpu.memory_space<vmem>> -> memref<128x64xf32, #tpu.memory_space<vmem>>
        %dma_wait3A_146 = arith.constant 0 : i32
        %dma_wait3A_147 = tpu.memref_slice %arg5[%dma_wait3A_142, %dma_wait3A_146] : memref<8x128xi32, #tpu.memory_space<vmem>> -> memref<1x128xi32, #tpu.memory_space<vmem>>
        %dma_wait3A_148 = tpu.memref_squeeze %dma_wait3A_147 : memref<1x128xi32, #tpu.memory_space<vmem>> -> memref<128xi32, #tpu.memory_space<vmem>>
        %dma_wait3A_149 = arith.constant 0 : i32
        %dma_wait3A_150 = arith.constant 0 : i32
        %dma_wait3A_151 = tpu.memref_slice %arg2[%dma_wait3A_149, %dma_wait3A_150] : memref<100001x64xf32, #tpu.memory_space<hbm>> -> memref<100001x64xf32, #tpu.memory_space<hbm>>
        tpu.wait_indirect_dma semaphore(%arg7 : memref<!tpu.dma_semaphore, #tpu.memory_space<semaphore_mem>>) src(%dma_wait3A_151 : memref<100001x64xf32, #tpu.memory_space<hbm>>) dst(%dma_wait3A_145 : memref<128x64xf32, #tpu.memory_space<vmem>>)
        %dma_wait3A_152 = arith.constant 6 : i32
        %dma_wait3A_153 = arith.constant 768 : i32
        %dma_wait3A_154 = arith.constant 0 : i32
        %dma_wait3A_155 = tpu.memref_slice %arg6[%dma_wait3A_153, %dma_wait3A_154] : memref<1024x64xf32, #tpu.memory_space<vmem>> -> memref<128x64xf32, #tpu.memory_space<vmem>>
        %dma_wait3A_156 = arith.constant 0 : i32
        %dma_wait3A_157 = tpu.memref_slice %arg5[%dma_wait3A_152, %dma_wait3A_156] : memref<8x128xi32, #tpu.memory_space<vmem>> -> memref<1x128xi32, #tpu.memory_space<vmem>>
        %dma_wait3A_158 = tpu.memref_squeeze %dma_wait3A_157 : memref<1x128xi32, #tpu.memory_space<vmem>> -> memref<128xi32, #tpu.memory_space<vmem>>
        %dma_wait3A_159 = arith.constant 0 : i32
        %dma_wait3A_160 = arith.constant 0 : i32
        %dma_wait3A_161 = tpu.memref_slice %arg2[%dma_wait3A_159, %dma_wait3A_160] : memref<100001x64xf32, #tpu.memory_space<hbm>> -> memref<100001x64xf32, #tpu.memory_space<hbm>>
        tpu.wait_indirect_dma semaphore(%arg7 : memref<!tpu.dma_semaphore, #tpu.memory_space<semaphore_mem>>) src(%dma_wait3A_161 : memref<100001x64xf32, #tpu.memory_space<hbm>>) dst(%dma_wait3A_155 : memref<128x64xf32, #tpu.memory_space<vmem>>)
        %dma_wait3A_162 = arith.constant 7 : i32
        %dma_wait3A_163 = arith.constant 896 : i32
        %dma_wait3A_164 = arith.constant 0 : i32
        %dma_wait3A_165 = tpu.memref_slice %arg6[%dma_wait3A_163, %dma_wait3A_164] : memref<1024x64xf32, #tpu.memory_space<vmem>> -> memref<128x64xf32, #tpu.memory_space<vmem>>
        %dma_wait3A_166 = arith.constant 0 : i32
        %dma_wait3A_167 = tpu.memref_slice %arg5[%dma_wait3A_162, %dma_wait3A_166] : memref<8x128xi32, #tpu.memory_space<vmem>> -> memref<1x128xi32, #tpu.memory_space<vmem>>
        %dma_wait3A_168 = tpu.memref_squeeze %dma_wait3A_167 : memref<1x128xi32, #tpu.memory_space<vmem>> -> memref<128xi32, #tpu.memory_space<vmem>>
        %dma_wait3A_169 = arith.constant 0 : i32
        %dma_wait3A_170 = arith.constant 0 : i32
        %dma_wait3A_171 = tpu.memref_slice %arg2[%dma_wait3A_169, %dma_wait3A_170] : memref<100001x64xf32, #tpu.memory_space<hbm>> -> memref<100001x64xf32, #tpu.memory_space<hbm>>
        tpu.wait_indirect_dma semaphore(%arg7 : memref<!tpu.dma_semaphore, #tpu.memory_space<semaphore_mem>>) src(%dma_wait3A_171 : memref<100001x64xf32, #tpu.memory_space<hbm>>) dst(%dma_wait3A_165 : memref<128x64xf32, #tpu.memory_space<vmem>>)
        %mul3A_172 = arith.constant 1024 : i32
        %mul3A_173 = arith.muli %add3A_9, %mul3A_172 : i32
        %multiple_of3A_174 = tpu.assume_multiple %mul3A_173, 8 : i32
        "tpu.region"() ({
          %run_scoped3A = tpu.sem_alloc : memref<!tpu.dma_semaphore, #tpu.memory_space<semaphore_mem>>
          %dma_start3A_175 = arith.constant 0 : i32
          %dma_start3A_176 = tpu.memref_slice %arg4[%multiple_of3A_174, %dma_start3A_175] : memref<81920x64xf32, #tpu.memory_space<hbm>> -> memref<1024x64xf32, #tpu.memory_space<hbm>>
          %dma_start3A_177 = arith.constant 0 : i32
          %dma_start3A_178 = tpu.memref_slice %arg4[%multiple_of3A_174, %dma_start3A_177] : memref<81920x64xf32, #tpu.memory_space<hbm>> -> memref<1024x64xf32, #tpu.memory_space<hbm>>
          tpu.enqueue_dma source(%arg6 : memref<1024x64xf32, #tpu.memory_space<vmem>>) target(%dma_start3A_178 : memref<1024x64xf32, #tpu.memory_space<hbm>>) target_semaphore(%run_scoped3A : memref<!tpu.dma_semaphore, #tpu.memory_space<semaphore_mem>>)
          %dma_wait3A_179 = arith.constant 0 : i32
          %dma_wait3A_180 = tpu.memref_slice %arg4[%multiple_of3A_174, %dma_wait3A_179] : memref<81920x64xf32, #tpu.memory_space<hbm>> -> memref<1024x64xf32, #tpu.memory_space<hbm>>
          %dma_wait3A_181 = arith.constant 0 : i32
          %dma_wait3A_182 = tpu.memref_slice %arg4[%multiple_of3A_174, %dma_wait3A_181] : memref<81920x64xf32, #tpu.memory_space<hbm>> -> memref<1024x64xf32, #tpu.memory_space<hbm>>
          tpu.wait_dma2 semaphore(%run_scoped3A : memref<!tpu.dma_semaphore, #tpu.memory_space<semaphore_mem>>) src(%arg6 : memref<1024x64xf32, #tpu.memory_space<vmem>>) dst(%dma_wait3A_182 : memref<1024x64xf32, #tpu.memory_space<hbm>>)
          tpu.yield
        }) : () -> ()
      } else {
      }
    }
    %scan3A_5 = arith.constant 3 : i32
    return
  }
}

#map = affine_map<(d0, d1) -> (0, 0)>
module attributes {stable_mosaic.version = 14 : i64} {
  func.func @gather(%arg0: i32, %arg1: i32, %arg2: memref<100001x64xf32, #tpu.memory_space<hbm>>, %arg3: memref<1600x128xi32, #tpu.memory_space<hbm>>, %arg4: memref<204800x64xf32, #tpu.memory_space<hbm>>, %arg5: memref<8x128xi32, #tpu.memory_space<vmem>>, %arg6: memref<1024x64xf32, #tpu.memory_space<vmem>>, %arg7: memref<!tpu.dma_semaphore, #tpu.memory_space<semaphore_mem>>) attributes {dimension_semantics = [#tpu.dimension_semantics<core_parallel>, #tpu.dimension_semantics<subcore_parallel>], iteration_bounds = array<i64: 2, 16>, scalar_prefetch = 0 : i64, scratch_operands = 3 : i64, tpu.core_type = #tpu.core_type<sc_vector_subcore>, window_params = [{transform_indices = #map}, {transform_indices = #map}, {transform_indices = #map}]} {
    %mul3A = arith.constant 2 : i32
    %mul3A_0 = arith.muli %arg1, %mul3A : i32
    %add3A = arith.addi %mul3A_0, %arg0 : i32
    %scan3A = arith.constant 0 : i32
    %scan3A_1 = arith.constant 0 : i32
    %scan3A_2 = arith.constant 7 : i32
    %scan3A_3 = arith.addi %scan3A_1, %scan3A_2 : i32
    %scan3A_4 = arith.constant 1 : i32
    scf.for %scan3A_6 = %scan3A_1 to %scan3A_3 step %scan3A_4  : i32 {
      %mul3A_7 = arith.constant 32 : i32
      %mul3A_8 = arith.muli %scan3A_6, %mul3A_7 : i32
      %add3A_9 = arith.addi %mul3A_8, %add3A : i32
      %lt3A = arith.constant 200 : i32
      %lt3A_10 = arith.cmpi slt, %add3A_9, %lt3A : i32
      %convert_element_type3A = arith.extui %lt3A_10 : i1 to i32
      %cond3A = arith.constant 0 : i32
      %cond3A_11 = arith.cmpi ne, %convert_element_type3A, %cond3A : i32
      scf.if %cond3A_11 {
        %mul3A_12 = arith.constant 8 : i32
        %mul3A_13 = arith.muli %add3A_9, %mul3A_12 : i32
        %multiple_of3A = tpu.assume_multiple %mul3A_13, 8 : i32
        "tpu.region"() ({
          %run_scoped3A = tpu.sem_alloc : memref<!tpu.dma_semaphore, #tpu.memory_space<semaphore_mem>>
          %dma_start3A_175 = arith.constant 0 : i32
          %dma_start3A_176 = tpu.memref_slice %arg3[%multiple_of3A, %dma_start3A_175] : memref<1600x128xi32, #tpu.memory_space<hbm>> -> memref<8x128xi32, #tpu.memory_space<hbm>>
          %dma_start3A_177 = arith.constant 0 : i32
          %dma_start3A_178 = tpu.memref_slice %arg3[%multiple_of3A, %dma_start3A_177] : memref<1600x128xi32, #tpu.memory_space<hbm>> -> memref<8x128xi32, #tpu.memory_space<hbm>>
          tpu.enqueue_dma source(%dma_start3A_178 : memref<8x128xi32, #tpu.memory_space<hbm>>) target(%arg5 : memref<8x128xi32, #tpu.memory_space<vmem>>) target_semaphore(%run_scoped3A : memref<!tpu.dma_semaphore, #tpu.memory_space<semaphore_mem>>)
          %dma_wait3A_179 = arith.constant 0 : i32
          %dma_wait3A_180 = tpu.memref_slice %arg3[%multiple_of3A, %dma_wait3A_179] : memref<1600x128xi32, #tpu.memory_space<hbm>> -> memref<8x128xi32, #tpu.memory_space<hbm>>
          %dma_wait3A_181 = arith.constant 0 : i32
          %dma_wait3A_182 = tpu.memref_slice %arg3[%multiple_of3A, %dma_wait3A_181] : memref<1600x128xi32, #tpu.memory_space<hbm>> -> memref<8x128xi32, #tpu.memory_space<hbm>>
          tpu.wait_dma2 semaphore(%run_scoped3A : memref<!tpu.dma_semaphore, #tpu.memory_space<semaphore_mem>>) src(%dma_wait3A_182 : memref<8x128xi32, #tpu.memory_space<hbm>>) dst(%arg5 : memref<8x128xi32, #tpu.memory_space<vmem>>)
          tpu.yield
        }) : () -> ()
        %dma_start3A = arith.constant 0 : i32
        %dma_start3A_14 = arith.constant 0 : i32
        %dma_start3A_15 = arith.constant 0 : i32
        %dma_start3A_16 = tpu.memref_slice %arg6[%dma_start3A_14, %dma_start3A_15] : memref<1024x64xf32, #tpu.memory_space<vmem>> -> memref<128x64xf32, #tpu.memory_space<vmem>>
        %dma_start3A_17 = arith.constant 0 : i32
        %dma_start3A_18 = tpu.memref_slice %arg5[%dma_start3A, %dma_start3A_17] : memref<8x128xi32, #tpu.memory_space<vmem>> -> memref<1x128xi32, #tpu.memory_space<vmem>>
        %dma_start3A_19 = tpu.memref_squeeze %dma_start3A_18 : memref<1x128xi32, #tpu.memory_space<vmem>> -> memref<128xi32, #tpu.memory_space<vmem>>
        %dma_start3A_20 = arith.constant 0 : i32
        %dma_start3A_21 = arith.constant 0 : i32
        %dma_start3A_22 = tpu.memref_slice %arg2[%dma_start3A_20, %dma_start3A_21] : memref<100001x64xf32, #tpu.memory_space<hbm>> -> memref<100001x64xf32, #tpu.memory_space<hbm>>
        tpu.enqueue_indirect_dma source(%dma_start3A_22 : memref<100001x64xf32, #tpu.memory_space<hbm>>) target(%dma_start3A_16 : memref<128x64xf32, #tpu.memory_space<vmem>>) offsets(%dma_start3A_19 : memref<128xi32, #tpu.memory_space<vmem>>) semaphore(%arg7 : memref<!tpu.dma_semaphore, #tpu.memory_space<semaphore_mem>>)
        %dma_start3A_23 = arith.constant 1 : i32
        %dma_start3A_24 = arith.constant 128 : i32
        %dma_start3A_25 = arith.constant 0 : i32
        %dma_start3A_26 = tpu.memref_slice %arg6[%dma_start3A_24, %dma_start3A_25] : memref<1024x64xf32, #tpu.memory_space<vmem>> -> memref<128x64xf32, #tpu.memory_space<vmem>>
        %dma_start3A_27 = arith.constant 0 : i32
        %dma_start3A_28 = tpu.memref_slice %arg5[%dma_start3A_23, %dma_start3A_27] : memref<8x128xi32, #tpu.memory_space<vmem>> -> memref<1x128xi32, #tpu.memory_space<vmem>>
        %dma_start3A_29 = tpu.memref_squeeze %dma_start3A_28 : memref<1x128xi32, #tpu.memory_space<vmem>> -> memref<128xi32, #tpu.memory_space<vmem>>
        %dma_start3A_30 = arith.constant 0 : i32
        %dma_start3A_31 = arith.constant 0 : i32
        %dma_start3A_32 = tpu.memref_slice %arg2[%dma_start3A_30, %dma_start3A_31] : memref<100001x64xf32, #tpu.memory_space<hbm>> -> memref<100001x64xf32, #tpu.memory_space<hbm>>
        tpu.enqueue_indirect_dma source(%dma_start3A_32 : memref<100001x64xf32, #tpu.memory_space<hbm>>) target(%dma_start3A_26 : memref<128x64xf32, #tpu.memory_space<vmem>>) offsets(%dma_start3A_29 : memref<128xi32, #tpu.memory_space<vmem>>) semaphore(%arg7 : memref<!tpu.dma_semaphore, #tpu.memory_space<semaphore_mem>>)
        %dma_start3A_33 = arith.constant 2 : i32
        %dma_start3A_34 = arith.constant 256 : i32
        %dma_start3A_35 = arith.constant 0 : i32
        %dma_start3A_36 = tpu.memref_slice %arg6[%dma_start3A_34, %dma_start3A_35] : memref<1024x64xf32, #tpu.memory_space<vmem>> -> memref<128x64xf32, #tpu.memory_space<vmem>>
        %dma_start3A_37 = arith.constant 0 : i32
        %dma_start3A_38 = tpu.memref_slice %arg5[%dma_start3A_33, %dma_start3A_37] : memref<8x128xi32, #tpu.memory_space<vmem>> -> memref<1x128xi32, #tpu.memory_space<vmem>>
        %dma_start3A_39 = tpu.memref_squeeze %dma_start3A_38 : memref<1x128xi32, #tpu.memory_space<vmem>> -> memref<128xi32, #tpu.memory_space<vmem>>
        %dma_start3A_40 = arith.constant 0 : i32
        %dma_start3A_41 = arith.constant 0 : i32
        %dma_start3A_42 = tpu.memref_slice %arg2[%dma_start3A_40, %dma_start3A_41] : memref<100001x64xf32, #tpu.memory_space<hbm>> -> memref<100001x64xf32, #tpu.memory_space<hbm>>
        tpu.enqueue_indirect_dma source(%dma_start3A_42 : memref<100001x64xf32, #tpu.memory_space<hbm>>) target(%dma_start3A_36 : memref<128x64xf32, #tpu.memory_space<vmem>>) offsets(%dma_start3A_39 : memref<128xi32, #tpu.memory_space<vmem>>) semaphore(%arg7 : memref<!tpu.dma_semaphore, #tpu.memory_space<semaphore_mem>>)
        %dma_start3A_43 = arith.constant 3 : i32
        %dma_start3A_44 = arith.constant 384 : i32
        %dma_start3A_45 = arith.constant 0 : i32
        %dma_start3A_46 = tpu.memref_slice %arg6[%dma_start3A_44, %dma_start3A_45] : memref<1024x64xf32, #tpu.memory_space<vmem>> -> memref<128x64xf32, #tpu.memory_space<vmem>>
        %dma_start3A_47 = arith.constant 0 : i32
        %dma_start3A_48 = tpu.memref_slice %arg5[%dma_start3A_43, %dma_start3A_47] : memref<8x128xi32, #tpu.memory_space<vmem>> -> memref<1x128xi32, #tpu.memory_space<vmem>>
        %dma_start3A_49 = tpu.memref_squeeze %dma_start3A_48 : memref<1x128xi32, #tpu.memory_space<vmem>> -> memref<128xi32, #tpu.memory_space<vmem>>
        %dma_start3A_50 = arith.constant 0 : i32
        %dma_start3A_51 = arith.constant 0 : i32
        %dma_start3A_52 = tpu.memref_slice %arg2[%dma_start3A_50, %dma_start3A_51] : memref<100001x64xf32, #tpu.memory_space<hbm>> -> memref<100001x64xf32, #tpu.memory_space<hbm>>
        tpu.enqueue_indirect_dma source(%dma_start3A_52 : memref<100001x64xf32, #tpu.memory_space<hbm>>) target(%dma_start3A_46 : memref<128x64xf32, #tpu.memory_space<vmem>>) offsets(%dma_start3A_49 : memref<128xi32, #tpu.memory_space<vmem>>) semaphore(%arg7 : memref<!tpu.dma_semaphore, #tpu.memory_space<semaphore_mem>>)
        %dma_start3A_53 = arith.constant 4 : i32
        %dma_start3A_54 = arith.constant 512 : i32
        %dma_start3A_55 = arith.constant 0 : i32
        %dma_start3A_56 = tpu.memref_slice %arg6[%dma_start3A_54, %dma_start3A_55] : memref<1024x64xf32, #tpu.memory_space<vmem>> -> memref<128x64xf32, #tpu.memory_space<vmem>>
        %dma_start3A_57 = arith.constant 0 : i32
        %dma_start3A_58 = tpu.memref_slice %arg5[%dma_start3A_53, %dma_start3A_57] : memref<8x128xi32, #tpu.memory_space<vmem>> -> memref<1x128xi32, #tpu.memory_space<vmem>>
        %dma_start3A_59 = tpu.memref_squeeze %dma_start3A_58 : memref<1x128xi32, #tpu.memory_space<vmem>> -> memref<128xi32, #tpu.memory_space<vmem>>
        %dma_start3A_60 = arith.constant 0 : i32
        %dma_start3A_61 = arith.constant 0 : i32
        %dma_start3A_62 = tpu.memref_slice %arg2[%dma_start3A_60, %dma_start3A_61] : memref<100001x64xf32, #tpu.memory_space<hbm>> -> memref<100001x64xf32, #tpu.memory_space<hbm>>
        tpu.enqueue_indirect_dma source(%dma_start3A_62 : memref<100001x64xf32, #tpu.memory_space<hbm>>) target(%dma_start3A_56 : memref<128x64xf32, #tpu.memory_space<vmem>>) offsets(%dma_start3A_59 : memref<128xi32, #tpu.memory_space<vmem>>) semaphore(%arg7 : memref<!tpu.dma_semaphore, #tpu.memory_space<semaphore_mem>>)
        %dma_start3A_63 = arith.constant 5 : i32
        %dma_start3A_64 = arith.constant 640 : i32
        %dma_start3A_65 = arith.constant 0 : i32
        %dma_start3A_66 = tpu.memref_slice %arg6[%dma_start3A_64, %dma_start3A_65] : memref<1024x64xf32, #tpu.memory_space<vmem>> -> memref<128x64xf32, #tpu.memory_space<vmem>>
        %dma_start3A_67 = arith.constant 0 : i32
        %dma_start3A_68 = tpu.memref_slice %arg5[%dma_start3A_63, %dma_start3A_67] : memref<8x128xi32, #tpu.memory_space<vmem>> -> memref<1x128xi32, #tpu.memory_space<vmem>>
        %dma_start3A_69 = tpu.memref_squeeze %dma_start3A_68 : memref<1x128xi32, #tpu.memory_space<vmem>> -> memref<128xi32, #tpu.memory_space<vmem>>
        %dma_start3A_70 = arith.constant 0 : i32
        %dma_start3A_71 = arith.constant 0 : i32
        %dma_start3A_72 = tpu.memref_slice %arg2[%dma_start3A_70, %dma_start3A_71] : memref<100001x64xf32, #tpu.memory_space<hbm>> -> memref<100001x64xf32, #tpu.memory_space<hbm>>
        tpu.enqueue_indirect_dma source(%dma_start3A_72 : memref<100001x64xf32, #tpu.memory_space<hbm>>) target(%dma_start3A_66 : memref<128x64xf32, #tpu.memory_space<vmem>>) offsets(%dma_start3A_69 : memref<128xi32, #tpu.memory_space<vmem>>) semaphore(%arg7 : memref<!tpu.dma_semaphore, #tpu.memory_space<semaphore_mem>>)
        %dma_start3A_73 = arith.constant 6 : i32
        %dma_start3A_74 = arith.constant 768 : i32
        %dma_start3A_75 = arith.constant 0 : i32
        %dma_start3A_76 = tpu.memref_slice %arg6[%dma_start3A_74, %dma_start3A_75] : memref<1024x64xf32, #tpu.memory_space<vmem>> -> memref<128x64xf32, #tpu.memory_space<vmem>>
        %dma_start3A_77 = arith.constant 0 : i32
        %dma_start3A_78 = tpu.memref_slice %arg5[%dma_start3A_73, %dma_start3A_77] : memref<8x128xi32, #tpu.memory_space<vmem>> -> memref<1x128xi32, #tpu.memory_space<vmem>>
        %dma_start3A_79 = tpu.memref_squeeze %dma_start3A_78 : memref<1x128xi32, #tpu.memory_space<vmem>> -> memref<128xi32, #tpu.memory_space<vmem>>
        %dma_start3A_80 = arith.constant 0 : i32
        %dma_start3A_81 = arith.constant 0 : i32
        %dma_start3A_82 = tpu.memref_slice %arg2[%dma_start3A_80, %dma_start3A_81] : memref<100001x64xf32, #tpu.memory_space<hbm>> -> memref<100001x64xf32, #tpu.memory_space<hbm>>
        tpu.enqueue_indirect_dma source(%dma_start3A_82 : memref<100001x64xf32, #tpu.memory_space<hbm>>) target(%dma_start3A_76 : memref<128x64xf32, #tpu.memory_space<vmem>>) offsets(%dma_start3A_79 : memref<128xi32, #tpu.memory_space<vmem>>) semaphore(%arg7 : memref<!tpu.dma_semaphore, #tpu.memory_space<semaphore_mem>>)
        %dma_start3A_83 = arith.constant 7 : i32
        %dma_start3A_84 = arith.constant 896 : i32
        %dma_start3A_85 = arith.constant 0 : i32
        %dma_start3A_86 = tpu.memref_slice %arg6[%dma_start3A_84, %dma_start3A_85] : memref<1024x64xf32, #tpu.memory_space<vmem>> -> memref<128x64xf32, #tpu.memory_space<vmem>>
        %dma_start3A_87 = arith.constant 0 : i32
        %dma_start3A_88 = tpu.memref_slice %arg5[%dma_start3A_83, %dma_start3A_87] : memref<8x128xi32, #tpu.memory_space<vmem>> -> memref<1x128xi32, #tpu.memory_space<vmem>>
        %dma_start3A_89 = tpu.memref_squeeze %dma_start3A_88 : memref<1x128xi32, #tpu.memory_space<vmem>> -> memref<128xi32, #tpu.memory_space<vmem>>
        %dma_start3A_90 = arith.constant 0 : i32
        %dma_start3A_91 = arith.constant 0 : i32
        %dma_start3A_92 = tpu.memref_slice %arg2[%dma_start3A_90, %dma_start3A_91] : memref<100001x64xf32, #tpu.memory_space<hbm>> -> memref<100001x64xf32, #tpu.memory_space<hbm>>
        tpu.enqueue_indirect_dma source(%dma_start3A_92 : memref<100001x64xf32, #tpu.memory_space<hbm>>) target(%dma_start3A_86 : memref<128x64xf32, #tpu.memory_space<vmem>>) offsets(%dma_start3A_89 : memref<128xi32, #tpu.memory_space<vmem>>) semaphore(%arg7 : memref<!tpu.dma_semaphore, #tpu.memory_space<semaphore_mem>>)
        %dma_wait3A = arith.constant 0 : i32
        %dma_wait3A_93 = arith.constant 0 : i32
        %dma_wait3A_94 = arith.constant 0 : i32
        %dma_wait3A_95 = tpu.memref_slice %arg6[%dma_wait3A_93, %dma_wait3A_94] : memref<1024x64xf32, #tpu.memory_space<vmem>> -> memref<128x64xf32, #tpu.memory_space<vmem>>
        %dma_wait3A_96 = arith.constant 0 : i32
        %dma_wait3A_97 = tpu.memref_slice %arg5[%dma_wait3A, %dma_wait3A_96] : memref<8x128xi32, #tpu.memory_space<vmem>> -> memref<1x128xi32, #tpu.memory_space<vmem>>
        %dma_wait3A_98 = tpu.memref_squeeze %dma_wait3A_97 : memref<1x128xi32, #tpu.memory_space<vmem>> -> memref<128xi32, #tpu.memory_space<vmem>>
        %dma_wait3A_99 = arith.constant 0 : i32
        %dma_wait3A_100 = arith.constant 0 : i32
        %dma_wait3A_101 = tpu.memref_slice %arg2[%dma_wait3A_99, %dma_wait3A_100] : memref<100001x64xf32, #tpu.memory_space<hbm>> -> memref<100001x64xf32, #tpu.memory_space<hbm>>
        tpu.wait_indirect_dma semaphore(%arg7 : memref<!tpu.dma_semaphore, #tpu.memory_space<semaphore_mem>>) src(%dma_wait3A_101 : memref<100001x64xf32, #tpu.memory_space<hbm>>) dst(%dma_wait3A_95 : memref<128x64xf32, #tpu.memory_space<vmem>>)
        %dma_wait3A_102 = arith.constant 1 : i32
        %dma_wait3A_103 = arith.constant 128 : i32
        %dma_wait3A_104 = arith.constant 0 : i32
        %dma_wait3A_105 = tpu.memref_slice %arg6[%dma_wait3A_103, %dma_wait3A_104] : memref<1024x64xf32, #tpu.memory_space<vmem>> -> memref<128x64xf32, #tpu.memory_space<vmem>>
        %dma_wait3A_106 = arith.constant 0 : i32
        %dma_wait3A_107 = tpu.memref_slice %arg5[%dma_wait3A_102, %dma_wait3A_106] : memref<8x128xi32, #tpu.memory_space<vmem>> -> memref<1x128xi32, #tpu.memory_space<vmem>>
        %dma_wait3A_108 = tpu.memref_squeeze %dma_wait3A_107 : memref<1x128xi32, #tpu.memory_space<vmem>> -> memref<128xi32, #tpu.memory_space<vmem>>
        %dma_wait3A_109 = arith.constant 0 : i32
        %dma_wait3A_110 = arith.constant 0 : i32
        %dma_wait3A_111 = tpu.memref_slice %arg2[%dma_wait3A_109, %dma_wait3A_110] : memref<100001x64xf32, #tpu.memory_space<hbm>> -> memref<100001x64xf32, #tpu.memory_space<hbm>>
        tpu.wait_indirect_dma semaphore(%arg7 : memref<!tpu.dma_semaphore, #tpu.memory_space<semaphore_mem>>) src(%dma_wait3A_111 : memref<100001x64xf32, #tpu.memory_space<hbm>>) dst(%dma_wait3A_105 : memref<128x64xf32, #tpu.memory_space<vmem>>)
        %dma_wait3A_112 = arith.constant 2 : i32
        %dma_wait3A_113 = arith.constant 256 : i32
        %dma_wait3A_114 = arith.constant 0 : i32
        %dma_wait3A_115 = tpu.memref_slice %arg6[%dma_wait3A_113, %dma_wait3A_114] : memref<1024x64xf32, #tpu.memory_space<vmem>> -> memref<128x64xf32, #tpu.memory_space<vmem>>
        %dma_wait3A_116 = arith.constant 0 : i32
        %dma_wait3A_117 = tpu.memref_slice %arg5[%dma_wait3A_112, %dma_wait3A_116] : memref<8x128xi32, #tpu.memory_space<vmem>> -> memref<1x128xi32, #tpu.memory_space<vmem>>
        %dma_wait3A_118 = tpu.memref_squeeze %dma_wait3A_117 : memref<1x128xi32, #tpu.memory_space<vmem>> -> memref<128xi32, #tpu.memory_space<vmem>>
        %dma_wait3A_119 = arith.constant 0 : i32
        %dma_wait3A_120 = arith.constant 0 : i32
        %dma_wait3A_121 = tpu.memref_slice %arg2[%dma_wait3A_119, %dma_wait3A_120] : memref<100001x64xf32, #tpu.memory_space<hbm>> -> memref<100001x64xf32, #tpu.memory_space<hbm>>
        tpu.wait_indirect_dma semaphore(%arg7 : memref<!tpu.dma_semaphore, #tpu.memory_space<semaphore_mem>>) src(%dma_wait3A_121 : memref<100001x64xf32, #tpu.memory_space<hbm>>) dst(%dma_wait3A_115 : memref<128x64xf32, #tpu.memory_space<vmem>>)
        %dma_wait3A_122 = arith.constant 3 : i32
        %dma_wait3A_123 = arith.constant 384 : i32
        %dma_wait3A_124 = arith.constant 0 : i32
        %dma_wait3A_125 = tpu.memref_slice %arg6[%dma_wait3A_123, %dma_wait3A_124] : memref<1024x64xf32, #tpu.memory_space<vmem>> -> memref<128x64xf32, #tpu.memory_space<vmem>>
        %dma_wait3A_126 = arith.constant 0 : i32
        %dma_wait3A_127 = tpu.memref_slice %arg5[%dma_wait3A_122, %dma_wait3A_126] : memref<8x128xi32, #tpu.memory_space<vmem>> -> memref<1x128xi32, #tpu.memory_space<vmem>>
        %dma_wait3A_128 = tpu.memref_squeeze %dma_wait3A_127 : memref<1x128xi32, #tpu.memory_space<vmem>> -> memref<128xi32, #tpu.memory_space<vmem>>
        %dma_wait3A_129 = arith.constant 0 : i32
        %dma_wait3A_130 = arith.constant 0 : i32
        %dma_wait3A_131 = tpu.memref_slice %arg2[%dma_wait3A_129, %dma_wait3A_130] : memref<100001x64xf32, #tpu.memory_space<hbm>> -> memref<100001x64xf32, #tpu.memory_space<hbm>>
        tpu.wait_indirect_dma semaphore(%arg7 : memref<!tpu.dma_semaphore, #tpu.memory_space<semaphore_mem>>) src(%dma_wait3A_131 : memref<100001x64xf32, #tpu.memory_space<hbm>>) dst(%dma_wait3A_125 : memref<128x64xf32, #tpu.memory_space<vmem>>)
        %dma_wait3A_132 = arith.constant 4 : i32
        %dma_wait3A_133 = arith.constant 512 : i32
        %dma_wait3A_134 = arith.constant 0 : i32
        %dma_wait3A_135 = tpu.memref_slice %arg6[%dma_wait3A_133, %dma_wait3A_134] : memref<1024x64xf32, #tpu.memory_space<vmem>> -> memref<128x64xf32, #tpu.memory_space<vmem>>
        %dma_wait3A_136 = arith.constant 0 : i32
        %dma_wait3A_137 = tpu.memref_slice %arg5[%dma_wait3A_132, %dma_wait3A_136] : memref<8x128xi32, #tpu.memory_space<vmem>> -> memref<1x128xi32, #tpu.memory_space<vmem>>
        %dma_wait3A_138 = tpu.memref_squeeze %dma_wait3A_137 : memref<1x128xi32, #tpu.memory_space<vmem>> -> memref<128xi32, #tpu.memory_space<vmem>>
        %dma_wait3A_139 = arith.constant 0 : i32
        %dma_wait3A_140 = arith.constant 0 : i32
        %dma_wait3A_141 = tpu.memref_slice %arg2[%dma_wait3A_139, %dma_wait3A_140] : memref<100001x64xf32, #tpu.memory_space<hbm>> -> memref<100001x64xf32, #tpu.memory_space<hbm>>
        tpu.wait_indirect_dma semaphore(%arg7 : memref<!tpu.dma_semaphore, #tpu.memory_space<semaphore_mem>>) src(%dma_wait3A_141 : memref<100001x64xf32, #tpu.memory_space<hbm>>) dst(%dma_wait3A_135 : memref<128x64xf32, #tpu.memory_space<vmem>>)
        %dma_wait3A_142 = arith.constant 5 : i32
        %dma_wait3A_143 = arith.constant 640 : i32
        %dma_wait3A_144 = arith.constant 0 : i32
        %dma_wait3A_145 = tpu.memref_slice %arg6[%dma_wait3A_143, %dma_wait3A_144] : memref<1024x64xf32, #tpu.memory_space<vmem>> -> memref<128x64xf32, #tpu.memory_space<vmem>>
        %dma_wait3A_146 = arith.constant 0 : i32
        %dma_wait3A_147 = tpu.memref_slice %arg5[%dma_wait3A_142, %dma_wait3A_146] : memref<8x128xi32, #tpu.memory_space<vmem>> -> memref<1x128xi32, #tpu.memory_space<vmem>>
        %dma_wait3A_148 = tpu.memref_squeeze %dma_wait3A_147 : memref<1x128xi32, #tpu.memory_space<vmem>> -> memref<128xi32, #tpu.memory_space<vmem>>
        %dma_wait3A_149 = arith.constant 0 : i32
        %dma_wait3A_150 = arith.constant 0 : i32
        %dma_wait3A_151 = tpu.memref_slice %arg2[%dma_wait3A_149, %dma_wait3A_150] : memref<100001x64xf32, #tpu.memory_space<hbm>> -> memref<100001x64xf32, #tpu.memory_space<hbm>>
        tpu.wait_indirect_dma semaphore(%arg7 : memref<!tpu.dma_semaphore, #tpu.memory_space<semaphore_mem>>) src(%dma_wait3A_151 : memref<100001x64xf32, #tpu.memory_space<hbm>>) dst(%dma_wait3A_145 : memref<128x64xf32, #tpu.memory_space<vmem>>)
        %dma_wait3A_152 = arith.constant 6 : i32
        %dma_wait3A_153 = arith.constant 768 : i32
        %dma_wait3A_154 = arith.constant 0 : i32
        %dma_wait3A_155 = tpu.memref_slice %arg6[%dma_wait3A_153, %dma_wait3A_154] : memref<1024x64xf32, #tpu.memory_space<vmem>> -> memref<128x64xf32, #tpu.memory_space<vmem>>
        %dma_wait3A_156 = arith.constant 0 : i32
        %dma_wait3A_157 = tpu.memref_slice %arg5[%dma_wait3A_152, %dma_wait3A_156] : memref<8x128xi32, #tpu.memory_space<vmem>> -> memref<1x128xi32, #tpu.memory_space<vmem>>
        %dma_wait3A_158 = tpu.memref_squeeze %dma_wait3A_157 : memref<1x128xi32, #tpu.memory_space<vmem>> -> memref<128xi32, #tpu.memory_space<vmem>>
        %dma_wait3A_159 = arith.constant 0 : i32
        %dma_wait3A_160 = arith.constant 0 : i32
        %dma_wait3A_161 = tpu.memref_slice %arg2[%dma_wait3A_159, %dma_wait3A_160] : memref<100001x64xf32, #tpu.memory_space<hbm>> -> memref<100001x64xf32, #tpu.memory_space<hbm>>
        tpu.wait_indirect_dma semaphore(%arg7 : memref<!tpu.dma_semaphore, #tpu.memory_space<semaphore_mem>>) src(%dma_wait3A_161 : memref<100001x64xf32, #tpu.memory_space<hbm>>) dst(%dma_wait3A_155 : memref<128x64xf32, #tpu.memory_space<vmem>>)
        %dma_wait3A_162 = arith.constant 7 : i32
        %dma_wait3A_163 = arith.constant 896 : i32
        %dma_wait3A_164 = arith.constant 0 : i32
        %dma_wait3A_165 = tpu.memref_slice %arg6[%dma_wait3A_163, %dma_wait3A_164] : memref<1024x64xf32, #tpu.memory_space<vmem>> -> memref<128x64xf32, #tpu.memory_space<vmem>>
        %dma_wait3A_166 = arith.constant 0 : i32
        %dma_wait3A_167 = tpu.memref_slice %arg5[%dma_wait3A_162, %dma_wait3A_166] : memref<8x128xi32, #tpu.memory_space<vmem>> -> memref<1x128xi32, #tpu.memory_space<vmem>>
        %dma_wait3A_168 = tpu.memref_squeeze %dma_wait3A_167 : memref<1x128xi32, #tpu.memory_space<vmem>> -> memref<128xi32, #tpu.memory_space<vmem>>
        %dma_wait3A_169 = arith.constant 0 : i32
        %dma_wait3A_170 = arith.constant 0 : i32
        %dma_wait3A_171 = tpu.memref_slice %arg2[%dma_wait3A_169, %dma_wait3A_170] : memref<100001x64xf32, #tpu.memory_space<hbm>> -> memref<100001x64xf32, #tpu.memory_space<hbm>>
        tpu.wait_indirect_dma semaphore(%arg7 : memref<!tpu.dma_semaphore, #tpu.memory_space<semaphore_mem>>) src(%dma_wait3A_171 : memref<100001x64xf32, #tpu.memory_space<hbm>>) dst(%dma_wait3A_165 : memref<128x64xf32, #tpu.memory_space<vmem>>)
        %mul3A_172 = arith.constant 1024 : i32
        %mul3A_173 = arith.muli %add3A_9, %mul3A_172 : i32
        %multiple_of3A_174 = tpu.assume_multiple %mul3A_173, 8 : i32
        "tpu.region"() ({
          %run_scoped3A = tpu.sem_alloc : memref<!tpu.dma_semaphore, #tpu.memory_space<semaphore_mem>>
          %dma_start3A_175 = arith.constant 0 : i32
          %dma_start3A_176 = tpu.memref_slice %arg4[%multiple_of3A_174, %dma_start3A_175] : memref<204800x64xf32, #tpu.memory_space<hbm>> -> memref<1024x64xf32, #tpu.memory_space<hbm>>
          %dma_start3A_177 = arith.constant 0 : i32
          %dma_start3A_178 = tpu.memref_slice %arg4[%multiple_of3A_174, %dma_start3A_177] : memref<204800x64xf32, #tpu.memory_space<hbm>> -> memref<1024x64xf32, #tpu.memory_space<hbm>>
          tpu.enqueue_dma source(%arg6 : memref<1024x64xf32, #tpu.memory_space<vmem>>) target(%dma_start3A_178 : memref<1024x64xf32, #tpu.memory_space<hbm>>) target_semaphore(%run_scoped3A : memref<!tpu.dma_semaphore, #tpu.memory_space<semaphore_mem>>)
          %dma_wait3A_179 = arith.constant 0 : i32
          %dma_wait3A_180 = tpu.memref_slice %arg4[%multiple_of3A_174, %dma_wait3A_179] : memref<204800x64xf32, #tpu.memory_space<hbm>> -> memref<1024x64xf32, #tpu.memory_space<hbm>>
          %dma_wait3A_181 = arith.constant 0 : i32
          %dma_wait3A_182 = tpu.memref_slice %arg4[%multiple_of3A_174, %dma_wait3A_181] : memref<204800x64xf32, #tpu.memory_space<hbm>> -> memref<1024x64xf32, #tpu.memory_space<hbm>>
          tpu.wait_dma2 semaphore(%run_scoped3A : memref<!tpu.dma_semaphore, #tpu.memory_space<semaphore_mem>>) src(%arg6 : memref<1024x64xf32, #tpu.memory_space<vmem>>) dst(%dma_wait3A_182 : memref<1024x64xf32, #tpu.memory_space<hbm>>)
          tpu.yield
        }) : () -> ()
      } else {
      }
    }
    %scan3A_5 = arith.constant 7 : i32
    return
  }
}

module attributes {stable_mosaic.version = 14 : i64} {
  func.func @body(%arg0: i32, %arg1: memref<10x2048x64xf32, #tpu.memory_space<vmem>>, %arg2: memref<256x64xf32, #tpu.memory_space<vmem>>, %arg3: memref<256x64xf32, #tpu.memory_space<vmem>>, %arg4: memref<256x1xf32, #tpu.memory_space<vmem>>, %arg5: memref<8x128xf32, #tpu.memory_space<vmem>>, %arg6: memref<8x1xf32, #tpu.memory_space<vmem>>, %arg7: memref<64x2048xf32, #tpu.memory_space<vmem>>, %arg8: memref<64x2048xf32, #tpu.memory_space<vmem>>, %arg9: memref<64x2048xf32, #tpu.memory_space<vmem>>, %arg10: memref<64x2048xf32, #tpu.memory_space<vmem>>) attributes {dimension_semantics = [#tpu.dimension_semantics<arbitrary>], iteration_bounds = array<i64: 4>, scalar_prefetch = 0 : i64, scratch_operands = 2 : i64, tpu.core_type = #tpu.core_type<tc>, window_params = [{transform_indices = @transform_0, window_bounds = array<i64: 10, 2048, 64>}, {pipeline_mode = #tpu.pipeline_mode<synchronous>, transform_indices = @transform_1, window_bounds = array<i64: 256, 64>}, {pipeline_mode = #tpu.pipeline_mode<synchronous>, transform_indices = @transform_2, window_bounds = array<i64: 256, 64>}, {pipeline_mode = #tpu.pipeline_mode<synchronous>, transform_indices = @transform_3, window_bounds = array<i64: 256, 1>}, {pipeline_mode = #tpu.pipeline_mode<synchronous>, transform_indices = @transform_4, window_bounds = array<i64: 8, 128>}, {pipeline_mode = #tpu.pipeline_mode<synchronous>, transform_indices = @transform_5, window_bounds = array<i64: 8, 1>}, {pipeline_mode = #tpu.pipeline_mode<synchronous>, transform_indices = @transform_6, window_bounds = array<i64: 64, 2048>}, {pipeline_mode = #tpu.pipeline_mode<synchronous>, transform_indices = @transform_7, window_bounds = array<i64: 64, 2048>}]} {
    %eq3A = arith.constant 0 : i32
    %eq3A_0 = arith.cmpi eq, %arg0, %eq3A : i32
    %convert_element_type3A = arith.extui %eq3A_0 : i1 to i32
    %cond3A = arith.constant 0 : i32
    %cond3A_1 = arith.cmpi ne, %convert_element_type3A, %cond3A : i32
    scf.if %cond3A_1 {
      %broadcast_in_dim3A = arith.constant 0.000000e+00 : f32
      %broadcast_in_dim3A_31 = vector.broadcast %broadcast_in_dim3A : f32 to vector<64x2048xf32>
      %swap3A_32 = arith.constant 0 : index
      %swap3A_33 = arith.constant 0 : index
      %swap3A_34 = vector.load %arg9[%swap3A_32, %swap3A_33] : memref<64x2048xf32, #tpu.memory_space<vmem>>, vector<64x2048xf32>
      tpu.vector_store %arg9[%swap3A_32, %swap3A_33], %broadcast_in_dim3A_31 {strides = array<i32>} : memref<64x2048xf32, #tpu.memory_space<vmem>>, vector<64x2048xf32>,
      %broadcast_in_dim3A_35 = arith.constant 0.000000e+00 : f32
      %broadcast_in_dim3A_36 = vector.broadcast %broadcast_in_dim3A_35 : f32 to vector<64x2048xf32>
      %swap3A_37 = arith.constant 0 : index
      %swap3A_38 = arith.constant 0 : index
      %swap3A_39 = vector.load %arg10[%swap3A_37, %swap3A_38] : memref<64x2048xf32, #tpu.memory_space<vmem>>, vector<64x2048xf32>
      tpu.vector_store %arg10[%swap3A_37, %swap3A_38], %broadcast_in_dim3A_36 {strides = array<i32>} : memref<64x2048xf32, #tpu.memory_space<vmem>>, vector<64x2048xf32>,
    } else {
    }
    %get3A = arith.constant 0 : index
    %get3A_2 = arith.constant 0 : index
    %get3A_3 = vector.load %arg2[%get3A, %get3A_2] : memref<256x64xf32, #tpu.memory_space<vmem>>, vector<256x64xf32>
    %get3A_4 = arith.constant 0 : index
    %get3A_5 = arith.constant 0 : index
    %get3A_6 = vector.load %arg3[%get3A_4, %get3A_5] : memref<256x64xf32, #tpu.memory_space<vmem>>, vector<256x64xf32>
    %get3A_7 = arith.constant 0 : index
    %get3A_8 = arith.constant 0 : index
    %get3A_9 = vector.load %arg4[%get3A_7, %get3A_8] : memref<256x1xf32, #tpu.memory_space<vmem>>, vector<256x1xf32>
    %get3A_10 = arith.constant 0 : index
    %get3A_11 = arith.constant 0 : index
    %get3A_12 = vector.load %arg9[%get3A_10, %get3A_11] : memref<64x2048xf32, #tpu.memory_space<vmem>>, vector<64x2048xf32>
    %get3A_13 = arith.constant 0 : index
    %get3A_14 = arith.constant 0 : index
    %get3A_15 = vector.load %arg10[%get3A_13, %get3A_14] : memref<64x2048xf32, #tpu.memory_space<vmem>>, vector<64x2048xf32>
    %scan3A = arith.constant 0 : i32
    %scan3A_16 = arith.constant 10 : i32
    %scan3A_17 = arith.addi %scan3A, %scan3A_16 : i32
    %scan3A_18 = arith.constant 1 : i32
    %scan3A_19:2 = scf.for %scan3A_31 = %scan3A to %scan3A_17 step %scan3A_18 iter_args(%scan3A_32 = %get3A_12, %scan3A_33 = %get3A_15) -> (vector<64x2048xf32>, vector<64x2048xf32>)  : i32 {
      %get3A_34 = arith.index_cast %scan3A_31 : i32 to index
      %get3A_35 = arith.constant 0 : index
      %get3A_36 = arith.constant 0 : index
      %get3A_37 = vector.load %arg1[%get3A_34, %get3A_35, %get3A_36] : memref<10x2048x64xf32, #tpu.memory_space<vmem>>, vector<1x2048x64xf32>
      %get3A_38 = vector.shape_cast %get3A_37 : vector<1x2048x64xf32> to vector<2048x64xf32>
      %dot_general3A = arith.constant dense<0.000000e+00> : vector<256x2048xf32>
      %dot_general3A_39 = tpu.matmul %get3A_3, %get3A_38, %dot_general3A {dimension_numbers = #tpu.dot_dimension_numbers<[1], [1], [0], [0], [0, 0, 1, 0], [], []>, transpose_lhs_hint = false} : vector<256x64xf32>, vector<2048x64xf32>, vector<256x2048xf32> -> vector<256x2048xf32>
      %dot_general3A_40 = arith.constant dense<0.000000e+00> : vector<256x2048xf32>
      %dot_general3A_41 = tpu.matmul %get3A_6, %scan3A_32, %dot_general3A_40 {dimension_numbers = #tpu.dot_dimension_numbers<[1], [0], [0], [1], [0, 0, 1, 1], [], []>, transpose_lhs_hint = false} : vector<256x64xf32>, vector<64x2048xf32>, vector<256x2048xf32> -> vector<256x2048xf32>
      %add3A = arith.addf %dot_general3A_39, %dot_general3A_41 : vector<256x2048xf32>
      %add3A_42 = vector.broadcast %get3A_9 : vector<256x1xf32> to vector<256x2048xf32>
      %add3A_43 = arith.addf %add3A, %add3A_42 : vector<256x2048xf32>
      %slice3A = vector.extract_strided_slice %add3A_43 {offsets = [0, 0], sizes = [64, 2048], strides = [1, 1]} : vector<256x2048xf32> to vector<64x2048xf32>
      %mul3A = arith.constant 5.000000e-01 : f32
      %mul3A_44 = vector.broadcast %mul3A : f32 to vector<64x2048xf32>
      %mul3A_45 = arith.mulf %mul3A_44, %slice3A : vector<64x2048xf32>
      %tanh3A = math.tanh %mul3A_45 : vector<64x2048xf32>
      %mul3A_46 = arith.constant 5.000000e-01 : f32
      %mul3A_47 = vector.broadcast %mul3A_46 : f32 to vector<64x2048xf32>
      %mul3A_48 = arith.mulf %mul3A_47, %tanh3A : vector<64x2048xf32>
      %add3A_49 = arith.constant 5.000000e-01 : f32
      %add3A_50 = vector.broadcast %add3A_49 : f32 to vector<64x2048xf32>
      %add3A_51 = arith.addf %add3A_50, %mul3A_48 : vector<64x2048xf32>
      %slice3A_52 = vector.extract_strided_slice %add3A_43 {offsets = [64, 0], sizes = [64, 2048], strides = [1, 1]} : vector<256x2048xf32> to vector<64x2048xf32>
      %mul3A_53 = arith.constant 5.000000e-01 : f32
      %mul3A_54 = vector.broadcast %mul3A_53 : f32 to vector<64x2048xf32>
      %mul3A_55 = arith.mulf %mul3A_54, %slice3A_52 : vector<64x2048xf32>
      %tanh3A_56 = math.tanh %mul3A_55 : vector<64x2048xf32>
      %mul3A_57 = arith.constant 5.000000e-01 : f32
      %mul3A_58 = vector.broadcast %mul3A_57 : f32 to vector<64x2048xf32>
      %mul3A_59 = arith.mulf %mul3A_58, %tanh3A_56 : vector<64x2048xf32>
      %add3A_60 = arith.constant 5.000000e-01 : f32
      %add3A_61 = vector.broadcast %add3A_60 : f32 to vector<64x2048xf32>
      %add3A_62 = arith.addf %add3A_61, %mul3A_59 : vector<64x2048xf32>
      %slice3A_63 = vector.extract_strided_slice %add3A_43 {offsets = [128, 0], sizes = [64, 2048], strides = [1, 1]} : vector<256x2048xf32> to vector<64x2048xf32>
      %tanh3A_64 = math.tanh %slice3A_63 : vector<64x2048xf32>
      %slice3A_65 = vector.extract_strided_slice %add3A_43 {offsets = [192, 0], sizes = [64, 2048], strides = [1, 1]} : vector<256x2048xf32> to vector<64x2048xf32>
      %mul3A_66 = arith.constant 5.000000e-01 : f32
      %mul3A_67 = vector.broadcast %mul3A_66 : f32 to vector<64x2048xf32>
      %mul3A_68 = arith.mulf %mul3A_67, %slice3A_65 : vector<64x2048xf32>
      %tanh3A_69 = math.tanh %mul3A_68 : vector<64x2048xf32>
      %mul3A_70 = arith.constant 5.000000e-01 : f32
      %mul3A_71 = vector.broadcast %mul3A_70 : f32 to vector<64x2048xf32>
      %mul3A_72 = arith.mulf %mul3A_71, %tanh3A_69 : vector<64x2048xf32>
      %add3A_73 = arith.constant 5.000000e-01 : f32
      %add3A_74 = vector.broadcast %add3A_73 : f32 to vector<64x2048xf32>
      %add3A_75 = arith.addf %add3A_74, %mul3A_72 : vector<64x2048xf32>
      %mul3A_76 = arith.mulf %add3A_62, %scan3A_33 : vector<64x2048xf32>
      %mul3A_77 = arith.mulf %add3A_51, %tanh3A_64 : vector<64x2048xf32>
      %add3A_78 = arith.addf %mul3A_76, %mul3A_77 : vector<64x2048xf32>
      %tanh3A_79 = math.tanh %add3A_78 : vector<64x2048xf32>
      %mul3A_80 = arith.mulf %add3A_75, %tanh3A_79 : vector<64x2048xf32>
      scf.yield %mul3A_80, %add3A_78 : vector<64x2048xf32>, vector<64x2048xf32>
    }
    %scan3A_20 = arith.constant 10 : i32
    %swap3A = arith.constant 0 : index
    %swap3A_21 = arith.constant 0 : index
    %swap3A_22 = vector.load %arg9[%swap3A, %swap3A_21] : memref<64x2048xf32, #tpu.memory_space<vmem>>, vector<64x2048xf32>
    tpu.vector_store %arg9[%swap3A, %swap3A_21], %scan3A_19#0 {strides = array<i32>} : memref<64x2048xf32, #tpu.memory_space<vmem>>, vector<64x2048xf32>,
    %swap3A_23 = arith.constant 0 : index
    %swap3A_24 = arith.constant 0 : index
    %swap3A_25 = vector.load %arg10[%swap3A_23, %swap3A_24] : memref<64x2048xf32, #tpu.memory_space<vmem>>, vector<64x2048xf32>
    tpu.vector_store %arg10[%swap3A_23, %swap3A_24], %scan3A_19#1 {strides = array<i32>} : memref<64x2048xf32, #tpu.memory_space<vmem>>, vector<64x2048xf32>,
    %eq3A_26 = arith.constant 3 : i32
    %eq3A_27 = arith.cmpi eq, %arg0, %eq3A_26 : i32
    %convert_element_type3A_28 = arith.extui %eq3A_27 : i1 to i32
    %cond3A_29 = arith.constant 0 : i32
    %cond3A_30 = arith.cmpi ne, %convert_element_type3A_28, %cond3A_29 : i32
    scf.if %cond3A_30 {
      %swap3A_31 = arith.constant 0 : index
      %swap3A_32 = arith.constant 0 : index
      %swap3A_33 = vector.load %arg7[%swap3A_31, %swap3A_32] : memref<64x2048xf32, #tpu.memory_space<vmem>>, vector<64x2048xf32>
      tpu.vector_store %arg7[%swap3A_31, %swap3A_32], %scan3A_19#0 {strides = array<i32>} : memref<64x2048xf32, #tpu.memory_space<vmem>>, vector<64x2048xf32>,
      %swap3A_34 = arith.constant 0 : index
      %swap3A_35 = arith.constant 0 : index
      %swap3A_36 = vector.load %arg8[%swap3A_34, %swap3A_35] : memref<64x2048xf32, #tpu.memory_space<vmem>>, vector<64x2048xf32>
      tpu.vector_store %arg8[%swap3A_34, %swap3A_35], %scan3A_19#1 {strides = array<i32>} : memref<64x2048xf32, #tpu.memory_space<vmem>>, vector<64x2048xf32>,
    } else {
    }
    return
  }
  func.func @transform_0(%arg0: i32) -> (i32, i32, i32) {
    %c0_i32 = arith.constant 0 : i32
    %c0_i32_0 = arith.constant 0 : i32
    %c0_i32_1 = arith.constant 0 : i32
    return %arg0, %c0_i32, %c0_i32_0 : i32, i32, i32
  }
  func.func @transform_1(%arg0: i32) -> (i32, i32) {
    %c0_i32 = arith.constant 0 : i32
    %c0_i32_0 = arith.constant 0 : i32
    %c0_i32_1 = arith.constant 0 : i32
    return %c0_i32, %c0_i32_0 : i32, i32
  }
  func.func @transform_2(%arg0: i32) -> (i32, i32) {
    %c0_i32 = arith.constant 0 : i32
    %c0_i32_0 = arith.constant 0 : i32
    %c0_i32_1 = arith.constant 0 : i32
    return %c0_i32, %c0_i32_0 : i32, i32
  }
  func.func @transform_3(%arg0: i32) -> (i32, i32) {
    %c0_i32 = arith.constant 0 : i32
    %c0_i32_0 = arith.constant 0 : i32
    %c0_i32_1 = arith.constant 0 : i32
    return %c0_i32, %c0_i32_0 : i32, i32
  }
  func.func @transform_4(%arg0: i32) -> (i32, i32) {
    %c0_i32 = arith.constant 0 : i32
    %c0_i32_0 = arith.constant 0 : i32
    %c0_i32_1 = arith.constant 0 : i32
    return %c0_i32, %c0_i32_0 : i32, i32
  }
  func.func @transform_5(%arg0: i32) -> (i32, i32) {
    %c0_i32 = arith.constant 0 : i32
    %c0_i32_0 = arith.constant 0 : i32
    %c0_i32_1 = arith.constant 0 : i32
    return %c0_i32, %c0_i32_0 : i32, i32
  }
  func.func @transform_6(%arg0: i32) -> (i32, i32) {
    %c0_i32 = arith.constant 0 : i32
    %c0_i32_0 = arith.constant 0 : i32
    %c0_i32_1 = arith.constant 0 : i32
    return %c0_i32, %c0_i32_0 : i32, i32
  }
  func.func @transform_7(%arg0: i32) -> (i32, i32) {
    %c0_i32 = arith.constant 0 : i32
    %c0_i32_0 = arith.constant 0 : i32
    %c0_i32_1 = arith.constant 0 : i32
    return %c0_i32, %c0_i32_0 : i32, i32
  }
}

module attributes {stable_mosaic.version = 14 : i64} {
  func.func @body(%arg0: i32, %arg1: memref<10x2048x64xf32, #tpu.memory_space<vmem>>, %arg2: memref<256x64xf32, #tpu.memory_space<vmem>>, %arg3: memref<256x64xf32, #tpu.memory_space<vmem>>, %arg4: memref<256x1xf32, #tpu.memory_space<vmem>>, %arg5: memref<8x128xf32, #tpu.memory_space<vmem>>, %arg6: memref<8x1xf32, #tpu.memory_space<vmem>>, %arg7: memref<64x2048xf32, #tpu.memory_space<vmem>>, %arg8: memref<64x2048xf32, #tpu.memory_space<vmem>>, %arg9: memref<64x2048xf32, #tpu.memory_space<vmem>>, %arg10: memref<64x2048xf32, #tpu.memory_space<vmem>>, %arg11: memref<64x2048xf32, #tpu.memory_space<vmem>>, %arg12: memref<64x2048xf32, #tpu.memory_space<vmem>>) attributes {dimension_semantics = [#tpu.dimension_semantics<arbitrary>], iteration_bounds = array<i64: 6>, scalar_prefetch = 0 : i64, scratch_operands = 2 : i64, tpu.core_type = #tpu.core_type<tc>, window_params = [{transform_indices = @transform_0, window_bounds = array<i64: 10, 2048, 64>}, {pipeline_mode = #tpu.pipeline_mode<synchronous>, transform_indices = @transform_1, window_bounds = array<i64: 256, 64>}, {pipeline_mode = #tpu.pipeline_mode<synchronous>, transform_indices = @transform_2, window_bounds = array<i64: 256, 64>}, {pipeline_mode = #tpu.pipeline_mode<synchronous>, transform_indices = @transform_3, window_bounds = array<i64: 256, 1>}, {pipeline_mode = #tpu.pipeline_mode<synchronous>, transform_indices = @transform_4, window_bounds = array<i64: 8, 128>}, {pipeline_mode = #tpu.pipeline_mode<synchronous>, transform_indices = @transform_5, window_bounds = array<i64: 8, 1>}, {pipeline_mode = #tpu.pipeline_mode<synchronous>, transform_indices = @transform_6, window_bounds = array<i64: 64, 2048>}, {pipeline_mode = #tpu.pipeline_mode<synchronous>, transform_indices = @transform_7, window_bounds = array<i64: 64, 2048>}, {pipeline_mode = #tpu.pipeline_mode<synchronous>, transform_indices = @transform_8, window_bounds = array<i64: 64, 2048>}, {pipeline_mode = #tpu.pipeline_mode<synchronous>, transform_indices = @transform_9, window_bounds = array<i64: 64, 2048>}]} {
    %eq3A = arith.constant 0 : i32
    %eq3A_0 = arith.cmpi eq, %arg0, %eq3A : i32
    %convert_element_type3A = arith.extui %eq3A_0 : i1 to i32
    %cond3A = arith.constant 0 : i32
    %cond3A_1 = arith.cmpi ne, %convert_element_type3A, %cond3A : i32
    scf.if %cond3A_1 {
      %get3A_31 = arith.constant 0 : index
      %get3A_32 = arith.constant 0 : index
      %get3A_33 = vector.load %arg7[%get3A_31, %get3A_32] : memref<64x2048xf32, #tpu.memory_space<vmem>>, vector<64x2048xf32>
      %swap3A_34 = arith.constant 0 : index
      %swap3A_35 = arith.constant 0 : index
      %swap3A_36 = vector.load %arg11[%swap3A_34, %swap3A_35] : memref<64x2048xf32, #tpu.memory_space<vmem>>, vector<64x2048xf32>
      tpu.vector_store %arg11[%swap3A_34, %swap3A_35], %get3A_33 {strides = array<i32>} : memref<64x2048xf32, #tpu.memory_space<vmem>>, vector<64x2048xf32>,
      %get3A_37 = arith.constant 0 : index
      %get3A_38 = arith.constant 0 : index
      %get3A_39 = vector.load %arg8[%get3A_37, %get3A_38] : memref<64x2048xf32, #tpu.memory_space<vmem>>, vector<64x2048xf32>
      %swap3A_40 = arith.constant 0 : index
      %swap3A_41 = arith.constant 0 : index
      %swap3A_42 = vector.load %arg12[%swap3A_40, %swap3A_41] : memref<64x2048xf32, #tpu.memory_space<vmem>>, vector<64x2048xf32>
      tpu.vector_store %arg12[%swap3A_40, %swap3A_41], %get3A_39 {strides = array<i32>} : memref<64x2048xf32, #tpu.memory_space<vmem>>, vector<64x2048xf32>,
    } else {
    }
    %get3A = arith.constant 0 : index
    %get3A_2 = arith.constant 0 : index
    %get3A_3 = vector.load %arg2[%get3A, %get3A_2] : memref<256x64xf32, #tpu.memory_space<vmem>>, vector<256x64xf32>
    %get3A_4 = arith.constant 0 : index
    %get3A_5 = arith.constant 0 : index
    %get3A_6 = vector.load %arg3[%get3A_4, %get3A_5] : memref<256x64xf32, #tpu.memory_space<vmem>>, vector<256x64xf32>
    %get3A_7 = arith.constant 0 : index
    %get3A_8 = arith.constant 0 : index
    %get3A_9 = vector.load %arg4[%get3A_7, %get3A_8] : memref<256x1xf32, #tpu.memory_space<vmem>>, vector<256x1xf32>
    %get3A_10 = arith.constant 0 : index
    %get3A_11 = arith.constant 0 : index
    %get3A_12 = vector.load %arg11[%get3A_10, %get3A_11] : memref<64x2048xf32, #tpu.memory_space<vmem>>, vector<64x2048xf32>
    %get3A_13 = arith.constant 0 : index
    %get3A_14 = arith.constant 0 : index
    %get3A_15 = vector.load %arg12[%get3A_13, %get3A_14] : memref<64x2048xf32, #tpu.memory_space<vmem>>, vector<64x2048xf32>
    %scan3A = arith.constant 0 : i32
    %scan3A_16 = arith.constant 10 : i32
    %scan3A_17 = arith.addi %scan3A, %scan3A_16 : i32
    %scan3A_18 = arith.constant 1 : i32
    %scan3A_19:2 = scf.for %scan3A_31 = %scan3A to %scan3A_17 step %scan3A_18 iter_args(%scan3A_32 = %get3A_12, %scan3A_33 = %get3A_15) -> (vector<64x2048xf32>, vector<64x2048xf32>)  : i32 {
      %get3A_34 = arith.index_cast %scan3A_31 : i32 to index
      %get3A_35 = arith.constant 0 : index
      %get3A_36 = arith.constant 0 : index
      %get3A_37 = vector.load %arg1[%get3A_34, %get3A_35, %get3A_36] : memref<10x2048x64xf32, #tpu.memory_space<vmem>>, vector<1x2048x64xf32>
      %get3A_38 = vector.shape_cast %get3A_37 : vector<1x2048x64xf32> to vector<2048x64xf32>
      %dot_general3A = arith.constant dense<0.000000e+00> : vector<256x2048xf32>
      %dot_general3A_39 = tpu.matmul %get3A_3, %get3A_38, %dot_general3A {dimension_numbers = #tpu.dot_dimension_numbers<[1], [1], [0], [0], [0, 0, 1, 0], [], []>, transpose_lhs_hint = false} : vector<256x64xf32>, vector<2048x64xf32>, vector<256x2048xf32> -> vector<256x2048xf32>
      %dot_general3A_40 = arith.constant dense<0.000000e+00> : vector<256x2048xf32>
      %dot_general3A_41 = tpu.matmul %get3A_6, %scan3A_32, %dot_general3A_40 {dimension_numbers = #tpu.dot_dimension_numbers<[1], [0], [0], [1], [0, 0, 1, 1], [], []>, transpose_lhs_hint = false} : vector<256x64xf32>, vector<64x2048xf32>, vector<256x2048xf32> -> vector<256x2048xf32>
      %add3A = arith.addf %dot_general3A_39, %dot_general3A_41 : vector<256x2048xf32>
      %add3A_42 = vector.broadcast %get3A_9 : vector<256x1xf32> to vector<256x2048xf32>
      %add3A_43 = arith.addf %add3A, %add3A_42 : vector<256x2048xf32>
      %slice3A = vector.extract_strided_slice %add3A_43 {offsets = [0, 0], sizes = [64, 2048], strides = [1, 1]} : vector<256x2048xf32> to vector<64x2048xf32>
      %mul3A = arith.constant 5.000000e-01 : f32
      %mul3A_44 = vector.broadcast %mul3A : f32 to vector<64x2048xf32>
      %mul3A_45 = arith.mulf %mul3A_44, %slice3A : vector<64x2048xf32>
      %tanh3A = math.tanh %mul3A_45 : vector<64x2048xf32>
      %mul3A_46 = arith.constant 5.000000e-01 : f32
      %mul3A_47 = vector.broadcast %mul3A_46 : f32 to vector<64x2048xf32>
      %mul3A_48 = arith.mulf %mul3A_47, %tanh3A : vector<64x2048xf32>
      %add3A_49 = arith.constant 5.000000e-01 : f32
      %add3A_50 = vector.broadcast %add3A_49 : f32 to vector<64x2048xf32>
      %add3A_51 = arith.addf %add3A_50, %mul3A_48 : vector<64x2048xf32>
      %slice3A_52 = vector.extract_strided_slice %add3A_43 {offsets = [64, 0], sizes = [64, 2048], strides = [1, 1]} : vector<256x2048xf32> to vector<64x2048xf32>
      %mul3A_53 = arith.constant 5.000000e-01 : f32
      %mul3A_54 = vector.broadcast %mul3A_53 : f32 to vector<64x2048xf32>
      %mul3A_55 = arith.mulf %mul3A_54, %slice3A_52 : vector<64x2048xf32>
      %tanh3A_56 = math.tanh %mul3A_55 : vector<64x2048xf32>
      %mul3A_57 = arith.constant 5.000000e-01 : f32
      %mul3A_58 = vector.broadcast %mul3A_57 : f32 to vector<64x2048xf32>
      %mul3A_59 = arith.mulf %mul3A_58, %tanh3A_56 : vector<64x2048xf32>
      %add3A_60 = arith.constant 5.000000e-01 : f32
      %add3A_61 = vector.broadcast %add3A_60 : f32 to vector<64x2048xf32>
      %add3A_62 = arith.addf %add3A_61, %mul3A_59 : vector<64x2048xf32>
      %slice3A_63 = vector.extract_strided_slice %add3A_43 {offsets = [128, 0], sizes = [64, 2048], strides = [1, 1]} : vector<256x2048xf32> to vector<64x2048xf32>
      %tanh3A_64 = math.tanh %slice3A_63 : vector<64x2048xf32>
      %slice3A_65 = vector.extract_strided_slice %add3A_43 {offsets = [192, 0], sizes = [64, 2048], strides = [1, 1]} : vector<256x2048xf32> to vector<64x2048xf32>
      %mul3A_66 = arith.constant 5.000000e-01 : f32
      %mul3A_67 = vector.broadcast %mul3A_66 : f32 to vector<64x2048xf32>
      %mul3A_68 = arith.mulf %mul3A_67, %slice3A_65 : vector<64x2048xf32>
      %tanh3A_69 = math.tanh %mul3A_68 : vector<64x2048xf32>
      %mul3A_70 = arith.constant 5.000000e-01 : f32
      %mul3A_71 = vector.broadcast %mul3A_70 : f32 to vector<64x2048xf32>
      %mul3A_72 = arith.mulf %mul3A_71, %tanh3A_69 : vector<64x2048xf32>
      %add3A_73 = arith.constant 5.000000e-01 : f32
      %add3A_74 = vector.broadcast %add3A_73 : f32 to vector<64x2048xf32>
      %add3A_75 = arith.addf %add3A_74, %mul3A_72 : vector<64x2048xf32>
      %mul3A_76 = arith.mulf %add3A_62, %scan3A_33 : vector<64x2048xf32>
      %mul3A_77 = arith.mulf %add3A_51, %tanh3A_64 : vector<64x2048xf32>
      %add3A_78 = arith.addf %mul3A_76, %mul3A_77 : vector<64x2048xf32>
      %tanh3A_79 = math.tanh %add3A_78 : vector<64x2048xf32>
      %mul3A_80 = arith.mulf %add3A_75, %tanh3A_79 : vector<64x2048xf32>
      scf.yield %mul3A_80, %add3A_78 : vector<64x2048xf32>, vector<64x2048xf32>
    }
    %scan3A_20 = arith.constant 10 : i32
    %swap3A = arith.constant 0 : index
    %swap3A_21 = arith.constant 0 : index
    %swap3A_22 = vector.load %arg11[%swap3A, %swap3A_21] : memref<64x2048xf32, #tpu.memory_space<vmem>>, vector<64x2048xf32>
    tpu.vector_store %arg11[%swap3A, %swap3A_21], %scan3A_19#0 {strides = array<i32>} : memref<64x2048xf32, #tpu.memory_space<vmem>>, vector<64x2048xf32>,
    %swap3A_23 = arith.constant 0 : index
    %swap3A_24 = arith.constant 0 : index
    %swap3A_25 = vector.load %arg12[%swap3A_23, %swap3A_24] : memref<64x2048xf32, #tpu.memory_space<vmem>>, vector<64x2048xf32>
    tpu.vector_store %arg12[%swap3A_23, %swap3A_24], %scan3A_19#1 {strides = array<i32>} : memref<64x2048xf32, #tpu.memory_space<vmem>>, vector<64x2048xf32>,
    %eq3A_26 = arith.constant 5 : i32
    %eq3A_27 = arith.cmpi eq, %arg0, %eq3A_26 : i32
    %convert_element_type3A_28 = arith.extui %eq3A_27 : i1 to i32
    %cond3A_29 = arith.constant 0 : i32
    %cond3A_30 = arith.cmpi ne, %convert_element_type3A_28, %cond3A_29 : i32
    scf.if %cond3A_30 {
      %swap3A_31 = arith.constant 0 : index
      %swap3A_32 = arith.constant 0 : index
      %swap3A_33 = vector.load %arg9[%swap3A_31, %swap3A_32] : memref<64x2048xf32, #tpu.memory_space<vmem>>, vector<64x2048xf32>
      tpu.vector_store %arg9[%swap3A_31, %swap3A_32], %scan3A_19#0 {strides = array<i32>} : memref<64x2048xf32, #tpu.memory_space<vmem>>, vector<64x2048xf32>,
      %swap3A_34 = arith.constant 0 : index
      %swap3A_35 = arith.constant 0 : index
      %swap3A_36 = vector.load %arg10[%swap3A_34, %swap3A_35] : memref<64x2048xf32, #tpu.memory_space<vmem>>, vector<64x2048xf32>
      tpu.vector_store %arg10[%swap3A_34, %swap3A_35], %scan3A_19#1 {strides = array<i32>} : memref<64x2048xf32, #tpu.memory_space<vmem>>, vector<64x2048xf32>,
    } else {
    }
    return
  }
  func.func @transform_0(%arg0: i32) -> (i32, i32, i32) {
    %c0_i32 = arith.constant 0 : i32
    %c0_i32_0 = arith.constant 0 : i32
    %c0_i32_1 = arith.constant 0 : i32
    return %arg0, %c0_i32, %c0_i32_0 : i32, i32, i32
  }
  func.func @transform_1(%arg0: i32) -> (i32, i32) {
    %c0_i32 = arith.constant 0 : i32
    %c0_i32_0 = arith.constant 0 : i32
    %c0_i32_1 = arith.constant 0 : i32
    return %c0_i32, %c0_i32_0 : i32, i32
  }
  func.func @transform_2(%arg0: i32) -> (i32, i32) {
    %c0_i32 = arith.constant 0 : i32
    %c0_i32_0 = arith.constant 0 : i32
    %c0_i32_1 = arith.constant 0 : i32
    return %c0_i32, %c0_i32_0 : i32, i32
  }
  func.func @transform_3(%arg0: i32) -> (i32, i32) {
    %c0_i32 = arith.constant 0 : i32
    %c0_i32_0 = arith.constant 0 : i32
    %c0_i32_1 = arith.constant 0 : i32
    return %c0_i32, %c0_i32_0 : i32, i32
  }
  func.func @transform_4(%arg0: i32) -> (i32, i32) {
    %c0_i32 = arith.constant 0 : i32
    %c0_i32_0 = arith.constant 0 : i32
    %c0_i32_1 = arith.constant 0 : i32
    return %c0_i32, %c0_i32_0 : i32, i32
  }
  func.func @transform_5(%arg0: i32) -> (i32, i32) {
    %c0_i32 = arith.constant 0 : i32
    %c0_i32_0 = arith.constant 0 : i32
    %c0_i32_1 = arith.constant 0 : i32
    return %c0_i32, %c0_i32_0 : i32, i32
  }
  func.func @transform_6(%arg0: i32) -> (i32, i32) {
    %c0_i32 = arith.constant 0 : i32
    %c0_i32_0 = arith.constant 0 : i32
    %c0_i32_1 = arith.constant 0 : i32
    return %c0_i32, %c0_i32_0 : i32, i32
  }
  func.func @transform_7(%arg0: i32) -> (i32, i32) {
    %c0_i32 = arith.constant 0 : i32
    %c0_i32_0 = arith.constant 0 : i32
    %c0_i32_1 = arith.constant 0 : i32
    return %c0_i32, %c0_i32_0 : i32, i32
  }
  func.func @transform_8(%arg0: i32) -> (i32, i32) {
    %c0_i32 = arith.constant 0 : i32
    %c0_i32_0 = arith.constant 0 : i32
    %c0_i32_1 = arith.constant 0 : i32
    return %c0_i32, %c0_i32_0 : i32, i32
  }
  func.func @transform_9(%arg0: i32) -> (i32, i32) {
    %c0_i32 = arith.constant 0 : i32
    %c0_i32_0 = arith.constant 0 : i32
    %c0_i32_1 = arith.constant 0 : i32
    return %c0_i32, %c0_i32_0 : i32, i32
  }
}

module attributes {stable_mosaic.version = 14 : i64} {
  func.func @body(%arg0: i32, %arg1: memref<10x2048x64xf32, #tpu.memory_space<vmem>>, %arg2: memref<256x64xf32, #tpu.memory_space<vmem>>, %arg3: memref<256x64xf32, #tpu.memory_space<vmem>>, %arg4: memref<256x1xf32, #tpu.memory_space<vmem>>, %arg5: memref<8x128xf32, #tpu.memory_space<vmem>>, %arg6: memref<8x1xf32, #tpu.memory_space<vmem>>, %arg7: memref<64x2048xf32, #tpu.memory_space<vmem>>, %arg8: memref<64x2048xf32, #tpu.memory_space<vmem>>, %arg9: memref<8x1024xf32, #tpu.memory_space<vmem>>, %arg10: memref<64x2048xf32, #tpu.memory_space<vmem>>, %arg11: memref<64x2048xf32, #tpu.memory_space<vmem>>) attributes {dimension_semantics = [#tpu.dimension_semantics<arbitrary>], iteration_bounds = array<i64: 10>, scalar_prefetch = 0 : i64, scratch_operands = 2 : i64, tpu.core_type = #tpu.core_type<tc>, window_params = [{transform_indices = @transform_0, window_bounds = array<i64: 10, 2048, 64>}, {pipeline_mode = #tpu.pipeline_mode<synchronous>, transform_indices = @transform_1, window_bounds = array<i64: 256, 64>}, {pipeline_mode = #tpu.pipeline_mode<synchronous>, transform_indices = @transform_2, window_bounds = array<i64: 256, 64>}, {pipeline_mode = #tpu.pipeline_mode<synchronous>, transform_indices = @transform_3, window_bounds = array<i64: 256, 1>}, {pipeline_mode = #tpu.pipeline_mode<synchronous>, transform_indices = @transform_4, window_bounds = array<i64: 8, 128>}, {pipeline_mode = #tpu.pipeline_mode<synchronous>, transform_indices = @transform_5, window_bounds = array<i64: 8, 1>}, {pipeline_mode = #tpu.pipeline_mode<synchronous>, transform_indices = @transform_6, window_bounds = array<i64: 64, 2048>}, {pipeline_mode = #tpu.pipeline_mode<synchronous>, transform_indices = @transform_7, window_bounds = array<i64: 64, 2048>}, {pipeline_mode = #tpu.pipeline_mode<synchronous>, transform_indices = @transform_8, window_bounds = array<i64: 8, 1024>}]} {
    %eq3A = arith.constant 0 : i32
    %eq3A_0 = arith.cmpi eq, %arg0, %eq3A : i32
    %convert_element_type3A = arith.extui %eq3A_0 : i1 to i32
    %cond3A = arith.constant 0 : i32
    %cond3A_1 = arith.cmpi ne, %convert_element_type3A, %cond3A : i32
    scf.if %cond3A_1 {
      %get3A_31 = arith.constant 0 : index
      %get3A_32 = arith.constant 0 : index
      %get3A_33 = vector.load %arg7[%get3A_31, %get3A_32] : memref<64x2048xf32, #tpu.memory_space<vmem>>, vector<64x2048xf32>
      %swap3A_34 = arith.constant 0 : index
      %swap3A_35 = arith.constant 0 : index
      %swap3A_36 = vector.load %arg10[%swap3A_34, %swap3A_35] : memref<64x2048xf32, #tpu.memory_space<vmem>>, vector<64x2048xf32>
      tpu.vector_store %arg10[%swap3A_34, %swap3A_35], %get3A_33 {strides = array<i32>} : memref<64x2048xf32, #tpu.memory_space<vmem>>, vector<64x2048xf32>,
      %get3A_37 = arith.constant 0 : index
      %get3A_38 = arith.constant 0 : index
      %get3A_39 = vector.load %arg8[%get3A_37, %get3A_38] : memref<64x2048xf32, #tpu.memory_space<vmem>>, vector<64x2048xf32>
      %swap3A_40 = arith.constant 0 : index
      %swap3A_41 = arith.constant 0 : index
      %swap3A_42 = vector.load %arg11[%swap3A_40, %swap3A_41] : memref<64x2048xf32, #tpu.memory_space<vmem>>, vector<64x2048xf32>
      tpu.vector_store %arg11[%swap3A_40, %swap3A_41], %get3A_39 {strides = array<i32>} : memref<64x2048xf32, #tpu.memory_space<vmem>>, vector<64x2048xf32>,
    } else {
    }
    %get3A = arith.constant 0 : index
    %get3A_2 = arith.constant 0 : index
    %get3A_3 = vector.load %arg2[%get3A, %get3A_2] : memref<256x64xf32, #tpu.memory_space<vmem>>, vector<256x64xf32>
    %get3A_4 = arith.constant 0 : index
    %get3A_5 = arith.constant 0 : index
    %get3A_6 = vector.load %arg3[%get3A_4, %get3A_5] : memref<256x64xf32, #tpu.memory_space<vmem>>, vector<256x64xf32>
    %get3A_7 = arith.constant 0 : index
    %get3A_8 = arith.constant 0 : index
    %get3A_9 = vector.load %arg4[%get3A_7, %get3A_8] : memref<256x1xf32, #tpu.memory_space<vmem>>, vector<256x1xf32>
    %get3A_10 = arith.constant 0 : index
    %get3A_11 = arith.constant 0 : index
    %get3A_12 = vector.load %arg10[%get3A_10, %get3A_11] : memref<64x2048xf32, #tpu.memory_space<vmem>>, vector<64x2048xf32>
    %get3A_13 = arith.constant 0 : index
    %get3A_14 = arith.constant 0 : index
    %get3A_15 = vector.load %arg11[%get3A_13, %get3A_14] : memref<64x2048xf32, #tpu.memory_space<vmem>>, vector<64x2048xf32>
    %scan3A = arith.constant 0 : i32
    %scan3A_16 = arith.constant 10 : i32
    %scan3A_17 = arith.addi %scan3A, %scan3A_16 : i32
    %scan3A_18 = arith.constant 1 : i32
    %scan3A_19:2 = scf.for %scan3A_31 = %scan3A to %scan3A_17 step %scan3A_18 iter_args(%scan3A_32 = %get3A_12, %scan3A_33 = %get3A_15) -> (vector<64x2048xf32>, vector<64x2048xf32>)  : i32 {
      %get3A_34 = arith.index_cast %scan3A_31 : i32 to index
      %get3A_35 = arith.constant 0 : index
      %get3A_36 = arith.constant 0 : index
      %get3A_37 = vector.load %arg1[%get3A_34, %get3A_35, %get3A_36] : memref<10x2048x64xf32, #tpu.memory_space<vmem>>, vector<1x2048x64xf32>
      %get3A_38 = vector.shape_cast %get3A_37 : vector<1x2048x64xf32> to vector<2048x64xf32>
      %dot_general3A = arith.constant dense<0.000000e+00> : vector<256x2048xf32>
      %dot_general3A_39 = tpu.matmul %get3A_3, %get3A_38, %dot_general3A {dimension_numbers = #tpu.dot_dimension_numbers<[1], [1], [0], [0], [0, 0, 1, 0], [], []>, transpose_lhs_hint = false} : vector<256x64xf32>, vector<2048x64xf32>, vector<256x2048xf32> -> vector<256x2048xf32>
      %dot_general3A_40 = arith.constant dense<0.000000e+00> : vector<256x2048xf32>
      %dot_general3A_41 = tpu.matmul %get3A_6, %scan3A_32, %dot_general3A_40 {dimension_numbers = #tpu.dot_dimension_numbers<[1], [0], [0], [1], [0, 0, 1, 1], [], []>, transpose_lhs_hint = false} : vector<256x64xf32>, vector<64x2048xf32>, vector<256x2048xf32> -> vector<256x2048xf32>
      %add3A = arith.addf %dot_general3A_39, %dot_general3A_41 : vector<256x2048xf32>
      %add3A_42 = vector.broadcast %get3A_9 : vector<256x1xf32> to vector<256x2048xf32>
      %add3A_43 = arith.addf %add3A, %add3A_42 : vector<256x2048xf32>
      %slice3A = vector.extract_strided_slice %add3A_43 {offsets = [0, 0], sizes = [64, 2048], strides = [1, 1]} : vector<256x2048xf32> to vector<64x2048xf32>
      %mul3A = arith.constant 5.000000e-01 : f32
      %mul3A_44 = vector.broadcast %mul3A : f32 to vector<64x2048xf32>
      %mul3A_45 = arith.mulf %mul3A_44, %slice3A : vector<64x2048xf32>
      %tanh3A = math.tanh %mul3A_45 : vector<64x2048xf32>
      %mul3A_46 = arith.constant 5.000000e-01 : f32
      %mul3A_47 = vector.broadcast %mul3A_46 : f32 to vector<64x2048xf32>
      %mul3A_48 = arith.mulf %mul3A_47, %tanh3A : vector<64x2048xf32>
      %add3A_49 = arith.constant 5.000000e-01 : f32
      %add3A_50 = vector.broadcast %add3A_49 : f32 to vector<64x2048xf32>
      %add3A_51 = arith.addf %add3A_50, %mul3A_48 : vector<64x2048xf32>
      %slice3A_52 = vector.extract_strided_slice %add3A_43 {offsets = [64, 0], sizes = [64, 2048], strides = [1, 1]} : vector<256x2048xf32> to vector<64x2048xf32>
      %mul3A_53 = arith.constant 5.000000e-01 : f32
      %mul3A_54 = vector.broadcast %mul3A_53 : f32 to vector<64x2048xf32>
      %mul3A_55 = arith.mulf %mul3A_54, %slice3A_52 : vector<64x2048xf32>
      %tanh3A_56 = math.tanh %mul3A_55 : vector<64x2048xf32>
      %mul3A_57 = arith.constant 5.000000e-01 : f32
      %mul3A_58 = vector.broadcast %mul3A_57 : f32 to vector<64x2048xf32>
      %mul3A_59 = arith.mulf %mul3A_58, %tanh3A_56 : vector<64x2048xf32>
      %add3A_60 = arith.constant 5.000000e-01 : f32
      %add3A_61 = vector.broadcast %add3A_60 : f32 to vector<64x2048xf32>
      %add3A_62 = arith.addf %add3A_61, %mul3A_59 : vector<64x2048xf32>
      %slice3A_63 = vector.extract_strided_slice %add3A_43 {offsets = [128, 0], sizes = [64, 2048], strides = [1, 1]} : vector<256x2048xf32> to vector<64x2048xf32>
      %tanh3A_64 = math.tanh %slice3A_63 : vector<64x2048xf32>
      %slice3A_65 = vector.extract_strided_slice %add3A_43 {offsets = [192, 0], sizes = [64, 2048], strides = [1, 1]} : vector<256x2048xf32> to vector<64x2048xf32>
      %mul3A_66 = arith.constant 5.000000e-01 : f32
      %mul3A_67 = vector.broadcast %mul3A_66 : f32 to vector<64x2048xf32>
      %mul3A_68 = arith.mulf %mul3A_67, %slice3A_65 : vector<64x2048xf32>
      %tanh3A_69 = math.tanh %mul3A_68 : vector<64x2048xf32>
      %mul3A_70 = arith.constant 5.000000e-01 : f32
      %mul3A_71 = vector.broadcast %mul3A_70 : f32 to vector<64x2048xf32>
      %mul3A_72 = arith.mulf %mul3A_71, %tanh3A_69 : vector<64x2048xf32>
      %add3A_73 = arith.constant 5.000000e-01 : f32
      %add3A_74 = vector.broadcast %add3A_73 : f32 to vector<64x2048xf32>
      %add3A_75 = arith.addf %add3A_74, %mul3A_72 : vector<64x2048xf32>
      %mul3A_76 = arith.mulf %add3A_62, %scan3A_33 : vector<64x2048xf32>
      %mul3A_77 = arith.mulf %add3A_51, %tanh3A_64 : vector<64x2048xf32>
      %add3A_78 = arith.addf %mul3A_76, %mul3A_77 : vector<64x2048xf32>
      %tanh3A_79 = math.tanh %add3A_78 : vector<64x2048xf32>
      %mul3A_80 = arith.mulf %add3A_75, %tanh3A_79 : vector<64x2048xf32>
      scf.yield %mul3A_80, %add3A_78 : vector<64x2048xf32>, vector<64x2048xf32>
    }
    %scan3A_20 = arith.constant 10 : i32
    %swap3A = arith.constant 0 : index
    %swap3A_21 = arith.constant 0 : index
    %swap3A_22 = vector.load %arg10[%swap3A, %swap3A_21] : memref<64x2048xf32, #tpu.memory_space<vmem>>, vector<64x2048xf32>
    tpu.vector_store %arg10[%swap3A, %swap3A_21], %scan3A_19#0 {strides = array<i32>} : memref<64x2048xf32, #tpu.memory_space<vmem>>, vector<64x2048xf32>,
    %swap3A_23 = arith.constant 0 : index
    %swap3A_24 = arith.constant 0 : index
    %swap3A_25 = vector.load %arg11[%swap3A_23, %swap3A_24] : memref<64x2048xf32, #tpu.memory_space<vmem>>, vector<64x2048xf32>
    tpu.vector_store %arg11[%swap3A_23, %swap3A_24], %scan3A_19#1 {strides = array<i32>} : memref<64x2048xf32, #tpu.memory_space<vmem>>, vector<64x2048xf32>,
    %eq3A_26 = arith.constant 9 : i32
    %eq3A_27 = arith.cmpi eq, %arg0, %eq3A_26 : i32
    %convert_element_type3A_28 = arith.extui %eq3A_27 : i1 to i32
    %cond3A_29 = arith.constant 0 : i32
    %cond3A_30 = arith.cmpi ne, %convert_element_type3A_28, %cond3A_29 : i32
    scf.if %cond3A_30 {
      %slice3A = vector.extract_strided_slice %scan3A_19#0 {offsets = [0, 0], sizes = [64, 1024], strides = [1, 1]} : vector<64x2048xf32> to vector<64x1024xf32>
      %slice3A_31 = vector.extract_strided_slice %scan3A_19#0 {offsets = [0, 1024], sizes = [64, 1024], strides = [1, 1]} : vector<64x2048xf32> to vector<64x1024xf32>
      %concatenate3A = tpu.concatenate %slice3A, %slice3A_31 in 0 : vector<64x1024xf32>, vector<64x1024xf32> -> vector<128x1024xf32>
      %get3A_32 = arith.constant 0 : index
      %get3A_33 = arith.constant 0 : index
      %get3A_34 = vector.load %arg5[%get3A_32, %get3A_33] : memref<8x128xf32, #tpu.memory_space<vmem>>, vector<8x128xf32>
      %dot_general3A = arith.constant dense<0.000000e+00> : vector<8x1024xf32>
      %dot_general3A_35 = tpu.matmul %get3A_34, %concatenate3A, %dot_general3A {dimension_numbers = #tpu.dot_dimension_numbers<[1], [0], [0], [1], [0, 0, 1, 1], [], []>, transpose_lhs_hint = false} : vector<8x128xf32>, vector<128x1024xf32>, vector<8x1024xf32> -> vector<8x1024xf32>
      %get3A_36 = arith.constant 0 : index
      %get3A_37 = arith.constant 0 : index
      %get3A_38 = vector.load %arg6[%get3A_36, %get3A_37] : memref<8x1xf32, #tpu.memory_space<vmem>>, vector<8x1xf32>
      %add3A = vector.broadcast %get3A_38 : vector<8x1xf32> to vector<8x1024xf32>
      %add3A_39 = arith.addf %dot_general3A_35, %add3A : vector<8x1024xf32>
      %reduce_max3A = arith.constant dense<0xFF800000> : vector<1024xf32>
      %reduce_max3A_40 = vector.multi_reduction <maximumf>, %add3A_39, %reduce_max3A [0] : vector<8x1024xf32> to vector<1024xf32>
      %broadcast_in_dim3A = vector.shape_cast %reduce_max3A_40 : vector<1024xf32> to vector<1x1024xf32>
      %sub3A = vector.broadcast %broadcast_in_dim3A : vector<1x1024xf32> to vector<8x1024xf32>
      %sub3A_41 = arith.subf %add3A_39, %sub3A : vector<8x1024xf32>
      %exp3A = math.exp %sub3A_41 : vector<8x1024xf32>
      %reduce_sum3A = arith.constant dense<0.000000e+00> : vector<1024xf32>
      %reduce_sum3A_42 = vector.multi_reduction <add>, %exp3A, %reduce_sum3A [0] : vector<8x1024xf32> to vector<1024xf32>
      %broadcast_in_dim3A_43 = vector.shape_cast %reduce_sum3A_42 : vector<1024xf32> to vector<1x1024xf32>
      %div3A = vector.broadcast %broadcast_in_dim3A_43 : vector<1x1024xf32> to vector<8x1024xf32>
      %div3A_44 = arith.divf %exp3A, %div3A : vector<8x1024xf32>
      %swap3A_45 = arith.constant 0 : index
      %swap3A_46 = arith.constant 0 : index
      %swap3A_47 = vector.load %arg9[%swap3A_45, %swap3A_46] : memref<8x1024xf32, #tpu.memory_space<vmem>>, vector<8x1024xf32>
      tpu.vector_store %arg9[%swap3A_45, %swap3A_46], %div3A_44 {strides = array<i32>} : memref<8x1024xf32, #tpu.memory_space<vmem>>, vector<8x1024xf32>,
    } else {
    }
    return
  }
  func.func @transform_0(%arg0: i32) -> (i32, i32, i32) {
    %c0_i32 = arith.constant 0 : i32
    %c0_i32_0 = arith.constant 0 : i32
    %c0_i32_1 = arith.constant 0 : i32
    return %arg0, %c0_i32, %c0_i32_0 : i32, i32, i32
  }
  func.func @transform_1(%arg0: i32) -> (i32, i32) {
    %c0_i32 = arith.constant 0 : i32
    %c0_i32_0 = arith.constant 0 : i32
    %c0_i32_1 = arith.constant 0 : i32
    return %c0_i32, %c0_i32_0 : i32, i32
  }
  func.func @transform_2(%arg0: i32) -> (i32, i32) {
    %c0_i32 = arith.constant 0 : i32
    %c0_i32_0 = arith.constant 0 : i32
    %c0_i32_1 = arith.constant 0 : i32
    return %c0_i32, %c0_i32_0 : i32, i32
  }
  func.func @transform_3(%arg0: i32) -> (i32, i32) {
    %c0_i32 = arith.constant 0 : i32
    %c0_i32_0 = arith.constant 0 : i32
    %c0_i32_1 = arith.constant 0 : i32
    return %c0_i32, %c0_i32_0 : i32, i32
  }
  func.func @transform_4(%arg0: i32) -> (i32, i32) {
    %c0_i32 = arith.constant 0 : i32
    %c0_i32_0 = arith.constant 0 : i32
    %c0_i32_1 = arith.constant 0 : i32
    return %c0_i32, %c0_i32_0 : i32, i32
  }
  func.func @transform_5(%arg0: i32) -> (i32, i32) {
    %c0_i32 = arith.constant 0 : i32
    %c0_i32_0 = arith.constant 0 : i32
    %c0_i32_1 = arith.constant 0 : i32
    return %c0_i32, %c0_i32_0 : i32, i32
  }
  func.func @transform_6(%arg0: i32) -> (i32, i32) {
    %c0_i32 = arith.constant 0 : i32
    %c0_i32_0 = arith.constant 0 : i32
    %c0_i32_1 = arith.constant 0 : i32
    return %c0_i32, %c0_i32_0 : i32, i32
  }
  func.func @transform_7(%arg0: i32) -> (i32, i32) {
    %c0_i32 = arith.constant 0 : i32
    %c0_i32_0 = arith.constant 0 : i32
    %c0_i32_1 = arith.constant 0 : i32
    return %c0_i32, %c0_i32_0 : i32, i32
  }
  func.func @transform_8(%arg0: i32) -> (i32, i32) {
    %c0_i32 = arith.constant 0 : i32
    %c0_i32_0 = arith.constant 0 : i32
    %c0_i32_1 = arith.constant 0 : i32
    return %c0_i32, %c0_i32_0 : i32, i32
  }
}

</mosaic_0001>

<sc_bundles>
// kernel: kernel.11.cloned.1.call-start
scs
__scs_entry_jumppad:
0x0: {  	(pc) =	sbr.rel $0x88, $3  }
0x1: {  	(tag) =	ssettag $0x0;
	lr =	simm.s32 $0x1  }
0x2: {  	[smem:$0x3F99] =	sst lr;
	_ =	strace $0xD0000000  }
0x3: {  	_ = 	snop  }
0x4: {  	_ = 	snop  }
0x5: {  	_ = 	snop  }
0x6: {  	_ = 	snop  }
0x7: {  	_ = 	snop  }
__scs_overlays_trampoline_lowered:
0x8: {  	[smem:$0x3FA8] =	sst s0  }
0x9: {  	[smem:$0x3FA9] =	sst s1  }
0xa: {  	[smem:$0x3FAA] =	sst s2  }
0xb: {  	[smem:$0x3FAB] =	sst s3  }
0xc: {  	[smem:$0x3FAC] =	sst s4  }
0xd: {  	[smem:$0x3FAD] =	sst s5  }
0xe: {  	[smem:$0x3FAE] =	sst s6  }
0xf: {  	[smem:$0x3FAF] =	sst s7  }
0x10: {  	[smem:$0x3FB0] =	sst s8  }
0x11: {  	[smem:$0x3FB1] =	sst s9;
	s0 =	simm.s32 @!p0 $0x0  }
0x12: {  	s1 =	sld [smem:$0x3F97];
	s0 =	simm.s32 @p0 $0x1  }
0x13: {  	[smem:$0x3FB2] =	sst s0;
	s0 =	simm.s32 @!p1 $0x0  }
0x14: {  	s2 =	sld [smem:$0x3F96];
	s0 =	simm.s32 @p1 $0x1  }
0x15: {  	[smem:$0x3FB3] =	sst s0;
	s0 =	simm.s32 @!p2 $0x0  }
0x16: {  	s3 =	sld [smem:$0x3FDB];
	s0 =	simm.s32 @p2 $0x1  }
0x17: {  	s4 =	simm.s32 $0x1BF5;
	[smem:$0x3FB5] =	sst s0  }
0x18: {  	s0 =	sld [smem:$0x3F98];
	_ =	swait.ge [sflag:s4], $0x0  }
0x19: {  	s7 =	sld [smem:$0x3F99]  }
0x1a: {  	s8 =	sadd.s32 $0xFFFFE003, lr  }
0x1b: {  	s9 =	sadd.s32 $0xFFFFFEF7, lr;
	s5 =	simm.s32 $0xFFFFFFFF;
	p2 =	slt.u32 s8, $0xFFFFF086  }
0x1c: {  	p1 =	slt.u32 s9, $0xF7A;
	s5 =	simm.s32 @!p2 $0x0  }
0x1d: {  	s5 =	simm.s32 @p1 $0x1;
	p0 =	seq.s32 s7, s2  }
0x1e: {  	s7 =	smul.u32 @!p0 $0xF7A, s2;
	p2 =	seq.s32 @!p0 s5, $0x0  }
0x1f: {  	s9 =	smul.u32 $0xF7A, s1;
	s8 =	simm.s32 @!p0 $0x1BF5;
	p2 =	por !p2, p0  }
0x20: {  	[sflag:s8] =	ssyncset.s32 @!p0 $0xFFFFF086;
	s6 =	sadd.s32 @!p0 s3, s7;
	s7 =	simm.s32 @!p0 $0x108  }
0x21: {  	s3 =	sadd.s32 s3, s9;
	s6 =	sadd.s32 @!p0 $0x88, s6;
	s7 =	simm.s32 @p2 $0x1082  }
0x22: {  	[simem:s7], [sflag:s8] =	dma.local @!p0 [hbm:s6], $0xF7A  }
0x23: {  	s9 =	sor.u32 $0xD0000000, s2;
	s6 =	simm.s32 $0x108;
	_ =	swait.ge @!p0 [sflag:s8], $0x0  }
0x24: {  	s3 =	sadd.s32 $0x88, s3;
	s6 =	simm.s32 @!p1 $0x1082;
	[sflag:s4] =	ssyncset.s32 $0xFFFFF086  }
0x25: {  	[simem:s6], [sflag:s4] =	dma.local [hbm:s3], $0xF7A  }
0x26: {  	[smem:$0x3F99] =	sst s1;
	(tag) =	ssettag s2;
	_ =	strace s9  }
0x27: {  	s1 =	sld [smem:$0x3FA9]  }
0x28: {  	s2 =	sld [smem:$0x3FAA]  }
0x29: {  	s4 =	sld [smem:$0x3FAC]  }
0x2a: {  	p0 =	seq.s32 s5, $0x0;
	s5 =	sld [smem:$0x3FAD]  }
0x2b: {  	s6 =	sld [smem:$0x3FAE]  }
0x2c: {  	s7 =	sld [smem:$0x3FAF]  }
0x2d: {  	s3 =	simm.s32 $0x108;
	s8 =	sld [smem:$0x3FB0]  }
0x2e: {  	s3 =	simm.s32 @!p0 $0x1082;
	s9 =	sld [smem:$0x3FB1]  }
0x2f: {  	lr =	sadd.s32 s0, s3;
	s0 =	sld [smem:$0x3FA8]  }
0x30: {  	s3 =	sld [smem:$0x3FAB]  }
0x31: {  	[smem:$0x3FB4] =	sst s10  }
0x32: {  	s10 =	sld [smem:$0x3FB2];
	_ =	sdelay $0x3  }
0x33: {  	p0 =	seq.s32 s10, $0x1;
	s10 =	sld [smem:$0x3FB4];
	_ =	sdelay $0x3  }
0x34: {  	[smem:$0x3FB4] =	sst s10  }
0x35: {  	s10 =	sld [smem:$0x3FB3];
	_ =	sdelay $0x3  }
0x36: {  	p1 =	seq.s32 s10, $0x1;
	s10 =	sld [smem:$0x3FB4];
	_ =	sdelay $0x3  }
0x37: {  	[smem:$0x3FB4] =	sst s10  }
0x38: {  	s10 =	sld [smem:$0x3FB5]  }
0x39: {  	_ = 	snop;
	(pc) =	sbr.ind lr, $3  }
0x3a: {  	_ = 	snop  }
0x3b: {  	_ = 	snop  }
0x3c: {  	p2 =	seq.s32 s10, $0x1;
	s10 =	sld [smem:$0x3FB4]  }
0x3d: {  	_ =	shalt  }
0x3e: {  	_ =	shalt  }
0x3f: {  	_ =	shalt  }
0x40: {  	_ =	shalt  }
0x41: {  	_ =	shalt  }
0x42: {  	_ =	shalt  }
0x43: {  	_ =	shalt  }
0x44: {  	_ =	shalt  }
0x45: {  	_ =	shalt  }
0x46: {  	_ =	shalt  }
0x47: {  	_ =	shalt  }
0x48: {  	_ =	shalt  }
0x49: {  	_ =	shalt  }
0x4a: {  	_ =	shalt  }
0x4b: {  	_ =	shalt  }
0x4c: {  	_ =	shalt  }
0x4d: {  	_ =	shalt  }
0x4e: {  	_ =	shalt  }
0x4f: {  	_ =	shalt  }
0x50: {  	_ =	shalt  }
0x51: {  	_ =	shalt  }
0x52: {  	_ =	shalt  }
0x53: {  	_ =	shalt  }
0x54: {  	_ =	shalt  }
0x55: {  	_ =	shalt  }
0x56: {  	_ =	shalt  }
0x57: {  	_ =	shalt  }
0x58: {  	_ =	shalt  }
0x59: {  	_ =	shalt  }
0x5a: {  	_ =	shalt  }
0x5b: {  	_ =	shalt  }
0x5c: {  	_ =	shalt  }
0x5d: {  	_ =	shalt  }
0x5e: {  	_ =	shalt  }
0x5f: {  	_ =	shalt  }
0x60: {  	_ =	shalt  }
0x61: {  	_ =	shalt  }
0x62: {  	_ =	shalt  }
0x63: {  	_ =	shalt  }
0x64: {  	_ =	shalt  }
0x65: {  	_ =	shalt  }
0x66: {  	_ =	shalt  }
0x67: {  	_ =	shalt  }
0x68: {  	_ =	shalt  }
0x69: {  	_ =	shalt  }
0x6a: {  	_ =	shalt  }
0x6b: {  	_ =	shalt  }
0x6c: {  	_ =	shalt  }
0x6d: {  	_ =	shalt  }
0x6e: {  	_ =	shalt  }
0x6f: {  	_ =	shalt  }
0x70: {  	_ =	shalt  }
0x71: {  	_ =	shalt  }
0x72: {  	_ =	shalt  }
0x73: {  	_ =	shalt  }
0x74: {  	_ =	shalt  }
0x75: {  	_ =	shalt  }
0x76: {  	_ =	shalt  }
0x77: {  	_ =	shalt  }
0x78: {  	_ =	shalt  }
0x79: {  	_ =	shalt  }
0x7a: {  	_ =	shalt  }
0x7b: {  	_ =	shalt  }
0x7c: {  	_ =	shalt  }
0x7d: {  	_ =	shalt  }
0x7e: {  	_ =	shalt  }
0x7f: {  	_ =	shalt  }
0x80: {  	_ =	shalt  }
0x81: {  	_ =	shalt  }
0x82: {  	_ =	shalt  }
0x83: {  	_ =	shalt  }
0x84: {  	_ =	shalt  }
0x85: {  	_ =	shalt  }
0x86: {  	_ =	shalt  }
0x87: {  	_ =	shalt  }
.Lfunc_end0:
.L_simem_size_0:
called_computation.1_lowered:
.L_overlay_start_0:
0x88: {  	s2 =	sld [smem:$0x3FD9]  }
0x89: {  	s3 =	sld [smem:$0x3FFE];
	_ =	sdelay $0x1  }
0x8a: {  	s1 =	srdreg.scid  }
0x8b: {  	s0 =	sand.u32 $0x1, s1  }
0x8c: {  	s17 =	sshll.u32 s0, $0xA;
	s2 =	sadd.s32 s3, s2  }
0x8d: {  	s2 =	sadd.s32 s2, s17  }
0x8e: {  	[smem:$0x3FC0] =	sst s2  }
0x8f: {  	_ = 	snop  }
0x90: {  	(tm) =	ssettm $0x1  }
0x91: {  	s18 =	sld [smem:$0x3FFB];
	_ =	sdelay $0x3  }
0x92: {  	_ =	strace s18  }
0x93: {  	s2 =	sld [smem:$0x3FFC];
	_ =	sdelay $0x3  }
0x94: {  	_ =	strace s2  }
0x95: {  	s2 =	sld [smem:$0x3FFD];
	_ =	sdelay $0x3  }
0x96: {  	_ =	strace s2  }
0x97: {  	_ =	strace $0x8FFFFFFF  }
0x98: {  	s19 =	sld [smem:$0x3FDB];
	_ =	sdelay $0x1  }
0x99: {  	s20 =	simm.s32 $_scs_section_size  }
0x9a: {  	s4 =	simm.s32 $_size__tile_overlayer_lowered;
	s5 =	simm.s32 $_tile_overlayer_lowered  }
0x9b: {  	s6 =	simm.s32 $0x1BFF;
	s21 =	sshll.u32 s5, $0x1;
	s3 =	sadd.s32 s20, s19  }
0x9c: {  	s22 =	simm.s32 $0x0;
	s4 =	sshll.u32 s4, $0x1;
	s5 =	sadd.s32 s21, s3  }
0x9d: {  	[timem:s22], [sflag:s6] =	dma.local [hbm:s5], s4  }
0x9e: {  	_ =	swait.ge [sflag:s6], s4  }
0x9f: {  	s4 =	ssub.s32 $0x0, s4;
	[sflag:s6] =	ssyncset.done $0x0  }
0xa0: {  	[sflag:s6] =	ssyncadd.s32 s4;
	_ =	sdelay $0x1  }
0xa1: {  	s23 =	simm.s32 $0x1B8B  }
0xa2: {  	_ =	swait.ge [sflag:s23], $0x1  }
0xa3: {  	[sflag:s23] =	ssyncset.done $0x0  }
0xa4: {  	[sflag:s23] =	ssyncadd.s32 $0xFFFFFFFF  }
0xa5: {  	s4 =	sld [smem:$0x0]  }
0xa6: {  	s5 =	sand.u32 $0xFFFFFFFE, s1  }
0xa7: {  	p0 =	sne.s32 s1, s5  }
0xa8: {  	s5 =	sshll.u32 @p0 s5, $0xE  }
0xa9: {  	s5 =	sadd.s32 @p0 $0x11B8D, s5;
	s6 =	sshll.u32 @p0 s4, $0x11  }
0xaa: {  	s5 =	sor.u32 @p0 s6, s5  }
0xab: {  	[sflag:s5] =	ssyncadd.remote.s32 @p0 $0x1;
	_ =	sdelay $0x1  }
0xac: {  	s5 =	simm.s32 @p0 $0x1B8D  }
0xad: {  	_ =	swait.eq @p0 [sflag:s5], $0x1  }
0xae: {  	[sflag:s5] =	ssyncadd.s32 @p0 $0xFFFFFFFF  }
0xaf: {  	s6 =	sshll.u32 @!p0 s1, $0xE  }
0xb0: {  	s6 =	sor.u32 @!p0 $0x4000, s6;
	s5 =	simm.s32 @!p0 $0x1B8D  }
0xb1: {  	s4 =	sshll.u32 @!p0 s4, $0x11;
	s6 =	sadd.s32 @!p0 $0x11B8D, s6;
	_ =	swait.eq @!p0 [sflag:s5], $0x1  }
0xb2: {  	s4 =	sor.u32 @!p0 s4, s6;
	[sflag:s5] =	ssyncadd.s32 @!p0 $0xFFFFFFFF  }
0xb3: {  	s25 =	simm.s32 $0x1B8E;
	s24 =	sld [smem:$0x3FFE];
	[sflag:s4] =	ssyncadd.remote.s32 @!p0 $0x1  }
0xb4: {  	s26 =	simm.s32 $execute0_lowered;
	[smem:$0x3FD2] =	sst s25  }
0xb5: {  	s5 =	sshll.u32 s26, $0x1;
	_ =	strace $0x80000049;
	[dreg:$0x1] =	wrdreg $0xFFFFFFFF  }
0xb6: {  	s28 =	simm.s32 $_size_execute0_lowered;
	s3 =	sadd.s32 s3, s5;
	[dreg:$0x0] =	wrdreg $0x0  }
0xb7: {  	s5 =	sshll.u32 s28, $0x1;
	[dreg:$0x2] =	wrdreg s3  }
0xb8: {  	[dreg:$0x3] =	wrdreg s5  }
0xb9: {  	[dreg:$0x4] =	wrdreg $0xC0  }
0xba: {  	_ =	task [dreg:s22], $0x5FFFF  }
0xbb: {  	[dreg:$0x1] =	wrdreg $0xFFFFFFFF  }
0xbc: {  	[dreg:$0x0] =	wrdreg $0x60  }
0xbd: {  	[dreg:$0x2] =	wrdreg s24  }
0xbe: {  	[dreg:$0x3] =	wrdreg $0xA  }
0xbf: {  	_ =	task.clear_ibuf [dreg:s22], $0x4FFFF;
	_ =	strace $0x90000049  }
0xc0: {  	s29 =	simm.s32 $0xA;
	_ =	strace $0x8000004B  }
0xc1: {  	_ =	swait.ge [sflag:s29], $0x1  }
0xc2: {  	[sflag:s29] =	ssyncadd.s32 $0xFFFFFFFF  }
0xc3: {  	_ =	strace $0x9000004B  }
0xc4: {  	_ =	sfence  }
0xc5: {  	s30 =	sld [smem:$0x0];
	_ =	sdelay $0x2  }
0xc6: {  	s31 =	sshll.u32 s1, $0xD;
	s1 =	sshrl.u32 s1, $0x2  }
0xc7: {  	s4 =	sand.u32 $0x4000, s31;
	s1 =	sadd.s32 s1, s30  }
0xc8: {  	s0 =	sor.u32 s4, s0;
	s1 =	sshll.u32 s1, $0x11  }
0xc9: {  	s0 =	sor.u32 s1, s0  }
0xca: {  	s0 =	sadd.s32 $0x8F2B, s0  }
0xcb: {  	[sflag:s0] =	ssyncadd.remote.s32 $0x1  }
0xcc: {  	_ =	sfence.sel $0xFFFF  }
0xcd: {  	[dreg:$0x0] =	wrdreg $0xFFFFFFFF;
	(pc) =	sbr.abs _section_cstart, $3  }
0xce: {  	[dreg:$0x1] =	wrdreg $0xFFFFFFFF  }
0xcf: {  	_ =	task.clear_ibuf [dreg:s22], $0x2FFFF;
	_ =	strace $0x9FFFFFFF  }
0xd0: {  	(tm) =	ssettm $0x7FFFFFFF  }
0xd1: {  	_ =	shalt  }
tec
execute0_lowered:
.L_overlay_start_1:
0x0: {  	(tag) =	ssettag $0x1  }
0x1: {  	s4 =	rddreg [dreg:$0x0]  }
0x2: {  	s0 =	rddreg [dreg:$0x1];
	s1 =	simm.s32 $0x0;
	s5 =	srdreg.scid  }
0x3: {  	s2 =	stileid.u32;
	[smem:$0x7FF] =	sst s1  }
0x4: {  	s3 =	sadd.s32 $0x4600, s4;
	s5 =	sand.u32 $0x1, s5;
	s6 =	sshll.u32 s2, $0x8  }
0x5: {  	s7 =	sshll.u32 s2, $0xE;
	_ =	strace $0x8000004A;
	s8 =	ssub.s32 $0x2, s5  }
0x6: {  	s6 =	sadd.s32 s6, s4;
	s7 =	sadd.s32 s7, s4;
	s9 =	sshll.u32 s5, $0xD  }
0x7: {  	s5 =	sshll.u32 s5, $0x7;
	s4 =	sshll.u32 s2, $0x1;
	s30 =	sshrl.u32 s8, $0x1  }
0x8: {  	s7 =	sadd.s32 s9, s7;
	s31 =	sadd.s32 s5, s6;
	s8 =	ssub.s32 s8, s30  }
0x9: {  	s6 =	sadd.s32 $0x16B800, s7;
	s7 =	sadd.s32 $0x167C00, s31;
	s5 =	smax.u32 s8, $0x1  }
.LBB2_1:
0xa: {  	s8 =	sadd.s32 $0x0, s4  }
0xb: {  	p0 =	sgt.u32 s8, $0x77  }
0xc: {  	s8 =	simm.s32 @!p0 $0x0;
	s9 =	simm.s32 @!p0 $0x3  }
0xd: {  	[tilespmem:s8], [sflag:$0x3] =	stream.linear.gather @!p0 [hbm4b:s7+s8], $0x400, $0x38;
	[tilespmem:$0x10400] =	vst v63  }
0xe: {  	_ =	swait.ge @!p0 [sflag:s9], $0x400  }
0xf: {  	[sflag:s9] =	ssyncset.done @!p0 $0x0;
	p0 =	por p0, p0  }
0x10: {  	[sflag:s9] =	ssyncadd.s32 @!p0 $0xFFFFFC00;
	s9 =	simm.s32 @!p0 $0x80;
	s10 =	simm.s32 @!p0 $0x400  }
0x11: {  	[tilespmem:s10], [sflag:$0x1] =	stream.indirect.gather @!p0 [hbm4b:s3+s9], $0x40, s8, s9, $0xb8;
	[tilespmem:$0x10400] =	vst v63  }
0x12: {  	s11 =	simm.s32 @!p0 $0x2400  }
0x13: {  	[tilespmem:s11], [sflag:$0x1] =	stream.indirect.gather @!p0 [hbm4b:s3+s9], $0x40, s9, s9, $0xb8;
	[tilespmem:$0x10400] =	vst v63  }
0x14: {  	s12 =	simm.s32 @!p0 $0x4400;
	s11 =	simm.s32 @!p0 $0x100  }
0x15: {  	[tilespmem:s12], [sflag:$0x1] =	stream.indirect.gather @!p0 [hbm4b:s3+s9], $0x40, s11, s9, $0xb8;
	[tilespmem:$0x10400] =	vst v63  }
0x16: {  	s11 =	simm.s32 @!p0 $0x180;
	s12 =	simm.s32 @!p0 $0x6400  }
0x17: {  	[tilespmem:s12], [sflag:$0x1] =	stream.indirect.gather @!p0 [hbm4b:s3+s9], $0x40, s11, s9, $0xb8;
	[tilespmem:$0x10400] =	vst v63  }
0x18: {  	s11 =	simm.s32 @!p0 $0x200;
	s12 =	simm.s32 @!p0 $0x8400  }
0x19: {  	[tilespmem:s12], [sflag:$0x1] =	stream.indirect.gather @!p0 [hbm4b:s3+s9], $0x40, s11, s9, $0xb8;
	[tilespmem:$0x10400] =	vst v63  }
0x1a: {  	s11 =	simm.s32 @!p0 $0x280;
	s12 =	simm.s32 @!p0 $0xA400  }
0x1b: {  	[tilespmem:s12], [sflag:$0x1] =	stream.indirect.gather @!p0 [hbm4b:s3+s9], $0x40, s11, s9, $0xb8;
	[tilespmem:$0x10400] =	vst v63  }
0x1c: {  	s11 =	simm.s32 @!p0 $0x300;
	s12 =	simm.s32 @!p0 $0xC400  }
0x1d: {  	[tilespmem:s12], [sflag:$0x1] =	stream.indirect.gather @!p0 [hbm4b:s3+s9], $0x40, s11, s9, $0xb8;
	[tilespmem:$0x10400] =	vst v63  }
0x1e: {  	s13 =	simm.s32 @!p0 $0x1;
	s11 =	simm.s32 @!p0 $0x380;
	s12 =	simm.s32 @!p0 $0xE400  }
0x1f: {  	[tilespmem:s12], [sflag:$0x1] =	stream.indirect.gather @!p0 [hbm4b:s3+s9], $0x40, s11, s9, $0xb8;
	[tilespmem:$0x10400] =	vst v63  }
0x20: {  	_ =	swait.ge @!p0 [sflag:s13], $0x2000  }
0x21: {  	[sflag:s13] =	ssyncset.done @!p0 $0x0  }
0x22: {  	[sflag:s13] =	ssyncadd.s32 @!p0 $0xFFFFE000  }
0x23: {  	_ =	swait.ge @!p0 [sflag:s13], $0x2000  }
0x24: {  	[sflag:s13] =	ssyncset.done @!p0 $0x0  }
0x25: {  	[sflag:s13] =	ssyncadd.s32 @!p0 $0xFFFFE000  }
0x26: {  	_ =	swait.ge @!p0 [sflag:s13], $0x2000  }
0x27: {  	[sflag:s13] =	ssyncset.done @!p0 $0x0  }
0x28: {  	[sflag:s13] =	ssyncadd.s32 @!p0 $0xFFFFE000  }
0x29: {  	_ =	swait.ge @!p0 [sflag:s13], $0x2000  }
0x2a: {  	[sflag:s13] =	ssyncset.done @!p0 $0x0  }
0x2b: {  	[sflag:s13] =	ssyncadd.s32 @!p0 $0xFFFFE000  }
0x2c: {  	_ =	swait.ge @!p0 [sflag:s13], $0x2000  }
0x2d: {  	[sflag:s13] =	ssyncset.done @!p0 $0x0  }
0x2e: {  	[sflag:s13] =	ssyncadd.s32 @!p0 $0xFFFFE000  }
0x2f: {  	_ =	swait.ge @!p0 [sflag:s13], $0x2000  }
0x30: {  	[sflag:s13] =	ssyncset.done @!p0 $0x0  }
0x31: {  	[sflag:s13] =	ssyncadd.s32 @!p0 $0xFFFFE000  }
0x32: {  	_ =	swait.ge @!p0 [sflag:s13], $0x2000  }
0x33: {  	[sflag:s13] =	ssyncset.done @!p0 $0x0  }
0x34: {  	[sflag:s13] =	ssyncadd.s32 @!p0 $0xFFFFE000  }
0x35: {  	_ =	swait.ge @!p0 [sflag:s13], $0x2000  }
0x36: {  	[sflag:s13] =	ssyncset.done @!p0 $0x0  }
0x37: {  	s31 =	sadd.s32 $0x20, s4;
	s14 =	simm.s32 @!p0 $0x2;
	[sflag:s13] =	ssyncadd.s32 @!p0 $0xFFFFE000  }
0x38: {  	[hbm4b:s6+s8] =	stream.linear.scatter @!p0 [tilespmem:s10], [sflag:$0x2], $0x10000, $0x38;
	[tilespmem:$0x10400] =	vst v63  }
0x39: {  	p2 =	sgt.u32 s31, $0x77;
	s9 =	simm.s32 $0x40;
	_ =	swait.ge @!p0 [sflag:s14], $0x10000  }
0x3a: {  	s10 =	sadd.s32 $0x1000, s7;
	s8 =	sadd.s32 $0x40000, s6;
	[sflag:s14] =	ssyncset.done @!p0 $0x0  }
.LBB2_2:
0x3b: {  	s11 =	simm.s32 @!p2 $0x0;
	s13 =	simm.s32 @!p2 $0x3;
	[sflag:s14] =	ssyncadd.s32 @!p0 $0xFFFF0000  }
0x3c: {  	[tilespmem:s11], [sflag:$0x3] =	stream.linear.gather @!p2 [hbm4b:s10+s11], $0x400, $0x38;
	[tilespmem:$0x10400] =	vst v63  }
0x3d: {  	s12 =	smov.u32 s9;
	s9 =	sadd.s32 $0x20, s9;
	_ =	swait.ge @!p2 [sflag:s13], $0x400  }
0x3e: {  	p0 =	por p2, p2;
	p1 =	sne.s32 s9, $0x80;
	[sflag:s13] =	ssyncset.done @!p2 $0x0  }
0x3f: {  	s14 =	simm.s32 @!p0 $0x80;
	[sflag:s13] =	ssyncadd.s32 @!p0 $0xFFFFFC00;
	s13 =	simm.s32 @!p0 $0x400  }
0x40: {  	[tilespmem:s13], [sflag:$0x1] =	stream.indirect.gather @!p0 [hbm4b:s3+s14], $0x40, s11, s14, $0xb8;
	[tilespmem:$0x10400] =	vst v63  }
0x41: {  	s15 =	simm.s32 @!p0 $0x2400  }
0x42: {  	[tilespmem:s15], [sflag:$0x1] =	stream.indirect.gather @!p0 [hbm4b:s3+s14], $0x40, s14, s14, $0xb8;
	[tilespmem:$0x10400] =	vst v63  }
0x43: {  	s16 =	simm.s32 @!p0 $0x4400;
	s15 =	simm.s32 @!p0 $0x100  }
0x44: {  	[tilespmem:s16], [sflag:$0x1] =	stream.indirect.gather @!p0 [hbm4b:s3+s14], $0x40, s15, s14, $0xb8;
	[tilespmem:$0x10400] =	vst v63  }
0x45: {  	s15 =	simm.s32 @!p0 $0x180;
	s16 =	simm.s32 @!p0 $0x6400  }
0x46: {  	[tilespmem:s16], [sflag:$0x1] =	stream.indirect.gather @!p0 [hbm4b:s3+s14], $0x40, s15, s14, $0xb8;
	[tilespmem:$0x10400] =	vst v63  }
0x47: {  	s15 =	simm.s32 @!p0 $0x200;
	s16 =	simm.s32 @!p0 $0x8400  }
0x48: {  	[tilespmem:s16], [sflag:$0x1] =	stream.indirect.gather @!p0 [hbm4b:s3+s14], $0x40, s15, s14, $0xb8;
	[tilespmem:$0x10400] =	vst v63  }
0x49: {  	s15 =	simm.s32 @!p0 $0x280;
	s16 =	simm.s32 @!p0 $0xA400  }
0x4a: {  	[tilespmem:s16], [sflag:$0x1] =	stream.indirect.gather @!p0 [hbm4b:s3+s14], $0x40, s15, s14, $0xb8;
	[tilespmem:$0x10400] =	vst v63  }
0x4b: {  	s15 =	simm.s32 @!p0 $0x300;
	s16 =	simm.s32 @!p0 $0xC400  }
0x4c: {  	[tilespmem:s16], [sflag:$0x1] =	stream.indirect.gather @!p0 [hbm4b:s3+s14], $0x40, s15, s14, $0xb8;
	[tilespmem:$0x10400] =	vst v63  }
0x4d: {  	s17 =	simm.s32 @!p0 $0x1;
	s15 =	simm.s32 @!p0 $0x380;
	s16 =	simm.s32 @!p0 $0xE400  }
0x4e: {  	[tilespmem:s16], [sflag:$0x1] =	stream.indirect.gather @!p0 [hbm4b:s3+s14], $0x40, s15, s14, $0xb8;
	[tilespmem:$0x10400] =	vst v63  }
0x4f: {  	_ =	swait.ge @!p0 [sflag:s17], $0x2000  }
0x50: {  	[sflag:s17] =	ssyncset.done @!p0 $0x0  }
0x51: {  	[sflag:s17] =	ssyncadd.s32 @!p0 $0xFFFFE000  }
0x52: {  	_ =	swait.ge @!p0 [sflag:s17], $0x2000  }
0x53: {  	[sflag:s17] =	ssyncset.done @!p0 $0x0  }
0x54: {  	[sflag:s17] =	ssyncadd.s32 @!p0 $0xFFFFE000  }
0x55: {  	_ =	swait.ge @!p0 [sflag:s17], $0x2000  }
0x56: {  	[sflag:s17] =	ssyncset.done @!p0 $0x0  }
0x57: {  	[sflag:s17] =	ssyncadd.s32 @!p0 $0xFFFFE000  }
0x58: {  	_ =	swait.ge @!p0 [sflag:s17], $0x2000  }
0x59: {  	[sflag:s17] =	ssyncset.done @!p0 $0x0  }
0x5a: {  	[sflag:s17] =	ssyncadd.s32 @!p0 $0xFFFFE000  }
0x5b: {  	_ =	swait.ge @!p0 [sflag:s17], $0x2000  }
0x5c: {  	[sflag:s17] =	ssyncset.done @!p0 $0x0  }
0x5d: {  	[sflag:s17] =	ssyncadd.s32 @!p0 $0xFFFFE000  }
0x5e: {  	_ =	swait.ge @!p0 [sflag:s17], $0x2000  }
0x5f: {  	[sflag:s17] =	ssyncset.done @!p0 $0x0  }
0x60: {  	[sflag:s17] =	ssyncadd.s32 @!p0 $0xFFFFE000  }
0x61: {  	_ =	swait.ge @!p0 [sflag:s17], $0x2000  }
0x62: {  	[sflag:s17] =	ssyncset.done @!p0 $0x0  }
0x63: {  	[sflag:s17] =	ssyncadd.s32 @!p0 $0xFFFFE000  }
0x64: {  	_ =	swait.ge @!p0 [sflag:s17], $0x2000  }
.Ltmp0:
0x65: {  	[sflag:s17] =	ssyncset.done @!p0 $0x0;
	(pc) =	sbr.rel @p1 .LBB2_2-.Ltmp0, $4  }
0x66: {  	s14 =	simm.s32 @!p0 $0x2;
	[sflag:s17] =	ssyncadd.s32 @!p0 $0xFFFFE000  }
0x67: {  	[hbm4b:s8+s11] =	stream.linear.scatter @!p0 [tilespmem:s13], [sflag:$0x2], $0x10000, $0x38;
	[tilespmem:$0x10400] =	vst v63  }
0x68: {  	s10 =	sadd.s32 $0x1000, s10;
	s11 =	sadd.s32 s12, s4;
	_ =	swait.ge @!p0 [sflag:s14], $0x10000  }
0x69: {  	s8 =	sadd.s32 $0x40000, s8;
	p2 =	sgt.u32 s11, $0x77;
	[sflag:s14] =	ssyncset.done @!p0 $0x0  }
0x6a: {  	s9 =	simm.s32 @!p2 $0x0;
	s11 =	simm.s32 @!p2 $0x3;
	[sflag:s14] =	ssyncadd.s32 @!p0 $0xFFFF0000  }
0x6b: {  	[tilespmem:s9], [sflag:$0x3] =	stream.linear.gather @!p2 [hbm4b:s10+s9], $0x400, $0x38;
	[tilespmem:$0x10400] =	vst v63  }
0x6c: {  	_ =	swait.ge @!p2 [sflag:s11], $0x400  }
0x6d: {  	p0 =	por p2, p2;
	[sflag:s11] =	ssyncset.done @!p2 $0x0  }
0x6e: {  	s10 =	simm.s32 @!p0 $0x80;
	[sflag:s11] =	ssyncadd.s32 @!p0 $0xFFFFFC00;
	s11 =	simm.s32 @!p0 $0x400  }
0x6f: {  	[tilespmem:s11], [sflag:$0x1] =	stream.indirect.gather @!p0 [hbm4b:s3+s10], $0x40, s9, s10, $0xb8;
	[tilespmem:$0x10400] =	vst v63  }
0x70: {  	s12 =	simm.s32 @!p0 $0x2400  }
0x71: {  	[tilespmem:s12], [sflag:$0x1] =	stream.indirect.gather @!p0 [hbm4b:s3+s10], $0x40, s10, s10, $0xb8;
	[tilespmem:$0x10400] =	vst v63  }
0x72: {  	s13 =	simm.s32 @!p0 $0x4400;
	s12 =	simm.s32 @!p0 $0x100  }
0x73: {  	[tilespmem:s13], [sflag:$0x1] =	stream.indirect.gather @!p0 [hbm4b:s3+s10], $0x40, s12, s10, $0xb8;
	[tilespmem:$0x10400] =	vst v63  }
0x74: {  	s12 =	simm.s32 @!p0 $0x180;
	s13 =	simm.s32 @!p0 $0x6400  }
0x75: {  	[tilespmem:s13], [sflag:$0x1] =	stream.indirect.gather @!p0 [hbm4b:s3+s10], $0x40, s12, s10, $0xb8;
	[tilespmem:$0x10400] =	vst v63  }
0x76: {  	s12 =	simm.s32 @!p0 $0x200;
	s13 =	simm.s32 @!p0 $0x8400  }
0x77: {  	[tilespmem:s13], [sflag:$0x1] =	stream.indirect.gather @!p0 [hbm4b:s3+s10], $0x40, s12, s10, $0xb8;
	[tilespmem:$0x10400] =	vst v63  }
0x78: {  	s12 =	simm.s32 @!p0 $0x280;
	s13 =	simm.s32 @!p0 $0xA400  }
0x79: {  	[tilespmem:s13], [sflag:$0x1] =	stream.indirect.gather @!p0 [hbm4b:s3+s10], $0x40, s12, s10, $0xb8;
	[tilespmem:$0x10400] =	vst v63  }
0x7a: {  	s12 =	simm.s32 @!p0 $0x300;
	s13 =	simm.s32 @!p0 $0xC400  }
0x7b: {  	[tilespmem:s13], [sflag:$0x1] =	stream.indirect.gather @!p0 [hbm4b:s3+s10], $0x40, s12, s10, $0xb8;
	[tilespmem:$0x10400] =	vst v63  }
0x7c: {  	s14 =	simm.s32 @!p0 $0x1;
	s12 =	simm.s32 @!p0 $0x380;
	s13 =	simm.s32 @!p0 $0xE400  }
0x7d: {  	[tilespmem:s13], [sflag:$0x1] =	stream.indirect.gather @!p0 [hbm4b:s3+s10], $0x40, s12, s10, $0xb8;
	[tilespmem:$0x10400] =	vst v63  }
0x7e: {  	_ =	swait.ge @!p0 [sflag:s14], $0x2000  }
0x7f: {  	[sflag:s14] =	ssyncset.done @!p0 $0x0  }
0x80: {  	[sflag:s14] =	ssyncadd.s32 @!p0 $0xFFFFE000  }
0x81: {  	_ =	swait.ge @!p0 [sflag:s14], $0x2000  }
0x82: {  	[sflag:s14] =	ssyncset.done @!p0 $0x0  }
0x83: {  	[sflag:s14] =	ssyncadd.s32 @!p0 $0xFFFFE000  }
0x84: {  	_ =	swait.ge @!p0 [sflag:s14], $0x2000  }
0x85: {  	[sflag:s14] =	ssyncset.done @!p0 $0x0  }
0x86: {  	[sflag:s14] =	ssyncadd.s32 @!p0 $0xFFFFE000  }
0x87: {  	_ =	swait.ge @!p0 [sflag:s14], $0x2000  }
0x88: {  	[sflag:s14] =	ssyncset.done @!p0 $0x0  }
0x89: {  	[sflag:s14] =	ssyncadd.s32 @!p0 $0xFFFFE000  }
0x8a: {  	_ =	swait.ge @!p0 [sflag:s14], $0x2000  }
0x8b: {  	[sflag:s14] =	ssyncset.done @!p0 $0x0  }
0x8c: {  	[sflag:s14] =	ssyncadd.s32 @!p0 $0xFFFFE000  }
0x8d: {  	_ =	swait.ge @!p0 [sflag:s14], $0x2000  }
0x8e: {  	[sflag:s14] =	ssyncset.done @!p0 $0x0  }
0x8f: {  	[sflag:s14] =	ssyncadd.s32 @!p0 $0xFFFFE000  }
0x90: {  	_ =	swait.ge @!p0 [sflag:s14], $0x2000  }
0x91: {  	[sflag:s14] =	ssyncset.done @!p0 $0x0  }
0x92: {  	[sflag:s14] =	ssyncadd.s32 @!p0 $0xFFFFE000  }
0x93: {  	s1 =	sadd.s32 $0x1, s1;
	_ =	swait.ge @!p0 [sflag:s14], $0x2000  }
0x94: {  	p1 =	sne.s32 s1, s5;
	[sflag:s14] =	ssyncset.done @!p0 $0x0  }
.Ltmp1:
0x95: {  	s10 =	simm.s32 @!p0 $0x2;
	[sflag:s14] =	ssyncadd.s32 @!p0 $0xFFFFE000;
	(pc) =	sbr.rel @p1 .LBB2_1-.Ltmp1, $4  }
0x96: {  	[hbm4b:s8+s9] =	stream.linear.scatter @!p0 [tilespmem:s11], [sflag:$0x2], $0x10000, $0x38;
	[tilespmem:$0x10400] =	vst v63  }
0x97: {  	_ =	swait.ge @!p0 [sflag:s10], $0x10000  }
0x98: {  	[sflag:s10] =	ssyncset.done @!p0 $0x0  }
0x99: {  	[sflag:s10] =	ssyncadd.s32 @!p0 $0xFFFF0000  }
0x9a: {  	_ =	sfence.sel $0x180000  }
0x9b: {  	[bflag:$0x0] =	sbarrier.arrive $0xFFFF  }
0x9c: {  	p0 =	sne.s32 s2, $0x0;
	_ =	strace $0x9000004A  }
0x9d: {  	s0 =	sadd.s32 @!p0 $0x100000, s0;
	[bflag:$0x2] =	sbarrier.arrive $0xFFFF  }
0x9e: {  	[sflag:s0] =	ssyncadd.tile.s32 @!p0 $0x1;
	_ =	shalt  }
.Lfunc_end2:
_tile_overlayer_lowered:
.L_overlay_start_2:
0x9f: {  	(tag) =	ssettag $0x2  }
0xa0: {  	s0 =	rddreg [dreg:$0x0];
	s2 =	stileid.u32  }
0xa1: {  	s1 =	rddreg [dreg:$0x1];
	p0 =	sne.s32 s2, $0x0  }
0xa2: {  	s3 =	rddreg [dreg:$0x2];
	[bflag:$0x3] =	sbarrier.arrive $0xFFFF;
	s2 =	simm.s32 @!p0 $0x1C02  }
0xa3: {  	[timem:s3], [sflag:s2] =	dma.local @!p0 [hbm:s0], s1  }
0xa4: {  	s0 =	simm.s32 @!p0 $0x2  }
0xa5: {  	_ =	swait.ge @!p0 [sflag:s0], s1  }
0xa6: {  	s1 =	ssub.s32 @!p0 $0x0, s1;
	[sflag:s0] =	ssyncset.done @!p0 $0x0  }
0xa7: {  	[sflag:s0] =	ssyncadd.s32 @!p0 s1  }
0xa8: {  	[bflag:$0x3] =	sbarrier.arrive $0xFFFF  }
0xa9: {  	_ =	shalt  }

// kernel: kernel.14.cloned.1.call-start
scs
__scs_entry_jumppad:
0x0: {  	(pc) =	sbr.rel $0x88, $3  }
0x1: {  	(tag) =	ssettag $0x0;
	lr =	simm.s32 $0x1  }
0x2: {  	[smem:$0x3F99] =	sst lr;
	_ =	strace $0xD0000000  }
0x3: {  	_ = 	snop  }
0x4: {  	_ = 	snop  }
0x5: {  	_ = 	snop  }
0x6: {  	_ = 	snop  }
0x7: {  	_ = 	snop  }
__scs_overlays_trampoline_lowered:
0x8: {  	[smem:$0x3FA8] =	sst s0  }
0x9: {  	[smem:$0x3FA9] =	sst s1  }
0xa: {  	[smem:$0x3FAA] =	sst s2  }
0xb: {  	[smem:$0x3FAB] =	sst s3  }
0xc: {  	[smem:$0x3FAC] =	sst s4  }
0xd: {  	[smem:$0x3FAD] =	sst s5  }
0xe: {  	[smem:$0x3FAE] =	sst s6  }
0xf: {  	[smem:$0x3FAF] =	sst s7  }
0x10: {  	[smem:$0x3FB0] =	sst s8  }
0x11: {  	[smem:$0x3FB1] =	sst s9;
	s0 =	simm.s32 @!p0 $0x0  }
0x12: {  	s1 =	sld [smem:$0x3F97];
	s0 =	simm.s32 @p0 $0x1  }
0x13: {  	[smem:$0x3FB2] =	sst s0;
	s0 =	simm.s32 @!p1 $0x0  }
0x14: {  	s2 =	sld [smem:$0x3F96];
	s0 =	simm.s32 @p1 $0x1  }
0x15: {  	[smem:$0x3FB3] =	sst s0;
	s0 =	simm.s32 @!p2 $0x0  }
0x16: {  	s3 =	sld [smem:$0x3FDB];
	s0 =	simm.s32 @p2 $0x1  }
0x17: {  	s4 =	simm.s32 $0x1BF5;
	[smem:$0x3FB5] =	sst s0  }
0x18: {  	s0 =	sld [smem:$0x3F98];
	_ =	swait.ge [sflag:s4], $0x0  }
0x19: {  	s7 =	sld [smem:$0x3F99]  }
0x1a: {  	s8 =	sadd.s32 $0xFFFFE003, lr  }
0x1b: {  	s9 =	sadd.s32 $0xFFFFFEF7, lr;
	s5 =	simm.s32 $0xFFFFFFFF;
	p2 =	slt.u32 s8, $0xFFFFF086  }
0x1c: {  	p1 =	slt.u32 s9, $0xF7A;
	s5 =	simm.s32 @!p2 $0x0  }
0x1d: {  	s5 =	simm.s32 @p1 $0x1;
	p0 =	seq.s32 s7, s2  }
0x1e: {  	s7 =	smul.u32 @!p0 $0xF7A, s2;
	p2 =	seq.s32 @!p0 s5, $0x0  }
0x1f: {  	s9 =	smul.u32 $0xF7A, s1;
	s8 =	simm.s32 @!p0 $0x1BF5;
	p2 =	por !p2, p0  }
0x20: {  	[sflag:s8] =	ssyncset.s32 @!p0 $0xFFFFF086;
	s6 =	sadd.s32 @!p0 s3, s7;
	s7 =	simm.s32 @!p0 $0x108  }
0x21: {  	s3 =	sadd.s32 s3, s9;
	s6 =	sadd.s32 @!p0 $0x88, s6;
	s7 =	simm.s32 @p2 $0x1082  }
0x22: {  	[simem:s7], [sflag:s8] =	dma.local @!p0 [hbm:s6], $0xF7A  }
0x23: {  	s9 =	sor.u32 $0xD0000000, s2;
	s6 =	simm.s32 $0x108;
	_ =	swait.ge @!p0 [sflag:s8], $0x0  }
0x24: {  	s3 =	sadd.s32 $0x88, s3;
	s6 =	simm.s32 @!p1 $0x1082;
	[sflag:s4] =	ssyncset.s32 $0xFFFFF086  }
0x25: {  	[simem:s6], [sflag:s4] =	dma.local [hbm:s3], $0xF7A  }
0x26: {  	[smem:$0x3F99] =	sst s1;
	(tag) =	ssettag s2;
	_ =	strace s9  }
0x27: {  	s1 =	sld [smem:$0x3FA9]  }
0x28: {  	s2 =	sld [smem:$0x3FAA]  }
0x29: {  	s4 =	sld [smem:$0x3FAC]  }
0x2a: {  	p0 =	seq.s32 s5, $0x0;
	s5 =	sld [smem:$0x3FAD]  }
0x2b: {  	s6 =	sld [smem:$0x3FAE]  }
0x2c: {  	s7 =	sld [smem:$0x3FAF]  }
0x2d: {  	s3 =	simm.s32 $0x108;
	s8 =	sld [smem:$0x3FB0]  }
0x2e: {  	s3 =	simm.s32 @!p0 $0x1082;
	s9 =	sld [smem:$0x3FB1]  }
0x2f: {  	lr =	sadd.s32 s0, s3;
	s0 =	sld [smem:$0x3FA8]  }
0x30: {  	s3 =	sld [smem:$0x3FAB]  }
0x31: {  	[smem:$0x3FB4] =	sst s10  }
0x32: {  	s10 =	sld [smem:$0x3FB2];
	_ =	sdelay $0x3  }
0x33: {  	p0 =	seq.s32 s10, $0x1;
	s10 =	sld [smem:$0x3FB4];
	_ =	sdelay $0x3  }
0x34: {  	[smem:$0x3FB4] =	sst s10  }
0x35: {  	s10 =	sld [smem:$0x3FB3];
	_ =	sdelay $0x3  }
0x36: {  	p1 =	seq.s32 s10, $0x1;
	s10 =	sld [smem:$0x3FB4];
	_ =	sdelay $0x3  }
0x37: {  	[smem:$0x3FB4] =	sst s10  }
0x38: {  	s10 =	sld [smem:$0x3FB5]  }
0x39: {  	_ = 	snop;
	(pc) =	sbr.ind lr, $3  }
0x3a: {  	_ = 	snop  }
0x3b: {  	_ = 	snop  }
0x3c: {  	p2 =	seq.s32 s10, $0x1;
	s10 =	sld [smem:$0x3FB4]  }
0x3d: {  	_ =	shalt  }
0x3e: {  	_ =	shalt  }
0x3f: {  	_ =	shalt  }
0x40: {  	_ =	shalt  }
0x41: {  	_ =	shalt  }
0x42: {  	_ =	shalt  }
0x43: {  	_ =	shalt  }
0x44: {  	_ =	shalt  }
0x45: {  	_ =	shalt  }
0x46: {  	_ =	shalt  }
0x47: {  	_ =	shalt  }
0x48: {  	_ =	shalt  }
0x49: {  	_ =	shalt  }
0x4a: {  	_ =	shalt  }
0x4b: {  	_ =	shalt  }
0x4c: {  	_ =	shalt  }
0x4d: {  	_ =	shalt  }
0x4e: {  	_ =	shalt  }
0x4f: {  	_ =	shalt  }
0x50: {  	_ =	shalt  }
0x51: {  	_ =	shalt  }
0x52: {  	_ =	shalt  }
0x53: {  	_ =	shalt  }
0x54: {  	_ =	shalt  }
0x55: {  	_ =	shalt  }
0x56: {  	_ =	shalt  }
0x57: {  	_ =	shalt  }
0x58: {  	_ =	shalt  }
0x59: {  	_ =	shalt  }
0x5a: {  	_ =	shalt  }
0x5b: {  	_ =	shalt  }
0x5c: {  	_ =	shalt  }
0x5d: {  	_ =	shalt  }
0x5e: {  	_ =	shalt  }
0x5f: {  	_ =	shalt  }
0x60: {  	_ =	shalt  }
0x61: {  	_ =	shalt  }
0x62: {  	_ =	shalt  }
0x63: {  	_ =	shalt  }
0x64: {  	_ =	shalt  }
0x65: {  	_ =	shalt  }
0x66: {  	_ =	shalt  }
0x67: {  	_ =	shalt  }
0x68: {  	_ =	shalt  }
0x69: {  	_ =	shalt  }
0x6a: {  	_ =	shalt  }
0x6b: {  	_ =	shalt  }
0x6c: {  	_ =	shalt  }
0x6d: {  	_ =	shalt  }
0x6e: {  	_ =	shalt  }
0x6f: {  	_ =	shalt  }
0x70: {  	_ =	shalt  }
0x71: {  	_ =	shalt  }
0x72: {  	_ =	shalt  }
0x73: {  	_ =	shalt  }
0x74: {  	_ =	shalt  }
0x75: {  	_ =	shalt  }
0x76: {  	_ =	shalt  }
0x77: {  	_ =	shalt  }
0x78: {  	_ =	shalt  }
0x79: {  	_ =	shalt  }
0x7a: {  	_ =	shalt  }
0x7b: {  	_ =	shalt  }
0x7c: {  	_ =	shalt  }
0x7d: {  	_ =	shalt  }
0x7e: {  	_ =	shalt  }
0x7f: {  	_ =	shalt  }
0x80: {  	_ =	shalt  }
0x81: {  	_ =	shalt  }
0x82: {  	_ =	shalt  }
0x83: {  	_ =	shalt  }
0x84: {  	_ =	shalt  }
0x85: {  	_ =	shalt  }
0x86: {  	_ =	shalt  }
0x87: {  	_ =	shalt  }
.Lfunc_end0:
.L_simem_size_0:
called_computation.2_lowered:
.L_overlay_start_0:
0x88: {  	s2 =	sld [smem:$0x3FD9]  }
0x89: {  	s3 =	sld [smem:$0x3FFE];
	_ =	sdelay $0x1  }
0x8a: {  	s1 =	srdreg.scid  }
0x8b: {  	s0 =	sand.u32 $0x1, s1  }
0x8c: {  	s17 =	sshll.u32 s0, $0xA;
	s2 =	sadd.s32 s3, s2  }
0x8d: {  	s2 =	sadd.s32 s2, s17  }
0x8e: {  	[smem:$0x3FC0] =	sst s2  }
0x8f: {  	_ = 	snop  }
0x90: {  	(tm) =	ssettm $0x1  }
0x91: {  	s18 =	sld [smem:$0x3FFB];
	_ =	sdelay $0x3  }
0x92: {  	_ =	strace s18  }
0x93: {  	s2 =	sld [smem:$0x3FFC];
	_ =	sdelay $0x3  }
0x94: {  	_ =	strace s2  }
0x95: {  	s2 =	sld [smem:$0x3FFD];
	_ =	sdelay $0x3  }
0x96: {  	_ =	strace s2  }
0x97: {  	_ =	strace $0x8FFFFFFF  }
0x98: {  	s19 =	sld [smem:$0x3FDB];
	_ =	sdelay $0x1  }
0x99: {  	s20 =	simm.s32 $_scs_section_size  }
0x9a: {  	s4 =	simm.s32 $_size__tile_overlayer_lowered;
	s5 =	simm.s32 $_tile_overlayer_lowered  }
0x9b: {  	s6 =	simm.s32 $0x1BFF;
	s21 =	sshll.u32 s5, $0x1;
	s3 =	sadd.s32 s20, s19  }
0x9c: {  	s22 =	simm.s32 $0x0;
	s4 =	sshll.u32 s4, $0x1;
	s5 =	sadd.s32 s21, s3  }
0x9d: {  	[timem:s22], [sflag:s6] =	dma.local [hbm:s5], s4  }
0x9e: {  	_ =	swait.ge [sflag:s6], s4  }
0x9f: {  	s4 =	ssub.s32 $0x0, s4;
	[sflag:s6] =	ssyncset.done $0x0  }
0xa0: {  	[sflag:s6] =	ssyncadd.s32 s4;
	_ =	sdelay $0x1  }
0xa1: {  	s23 =	simm.s32 $0x1B8B  }
0xa2: {  	_ =	swait.ge [sflag:s23], $0x1  }
0xa3: {  	[sflag:s23] =	ssyncset.done $0x0  }
0xa4: {  	[sflag:s23] =	ssyncadd.s32 $0xFFFFFFFF  }
0xa5: {  	s4 =	sld [smem:$0x0]  }
0xa6: {  	s5 =	sand.u32 $0xFFFFFFFE, s1  }
0xa7: {  	p0 =	sne.s32 s1, s5  }
0xa8: {  	s5 =	sshll.u32 @p0 s5, $0xE  }
0xa9: {  	s5 =	sadd.s32 @p0 $0x11B8D, s5;
	s6 =	sshll.u32 @p0 s4, $0x11  }
0xaa: {  	s5 =	sor.u32 @p0 s6, s5  }
0xab: {  	[sflag:s5] =	ssyncadd.remote.s32 @p0 $0x1;
	_ =	sdelay $0x1  }
0xac: {  	s5 =	simm.s32 @p0 $0x1B8D  }
0xad: {  	_ =	swait.eq @p0 [sflag:s5], $0x1  }
0xae: {  	[sflag:s5] =	ssyncadd.s32 @p0 $0xFFFFFFFF  }
0xaf: {  	s6 =	sshll.u32 @!p0 s1, $0xE  }
0xb0: {  	s6 =	sor.u32 @!p0 $0x4000, s6;
	s5 =	simm.s32 @!p0 $0x1B8D  }
0xb1: {  	s4 =	sshll.u32 @!p0 s4, $0x11;
	s6 =	sadd.s32 @!p0 $0x11B8D, s6;
	_ =	swait.eq @!p0 [sflag:s5], $0x1  }
0xb2: {  	s4 =	sor.u32 @!p0 s4, s6;
	[sflag:s5] =	ssyncadd.s32 @!p0 $0xFFFFFFFF  }
0xb3: {  	s25 =	simm.s32 $0x1B8E;
	s24 =	sld [smem:$0x3FFE];
	[sflag:s4] =	ssyncadd.remote.s32 @!p0 $0x1  }
0xb4: {  	s26 =	simm.s32 $execute0_lowered;
	[smem:$0x3FD2] =	sst s25  }
0xb5: {  	s5 =	sshll.u32 s26, $0x1;
	_ =	strace $0x8000004C;
	[dreg:$0x1] =	wrdreg $0xFFFFFFFF  }
0xb6: {  	s28 =	simm.s32 $_size_execute0_lowered;
	s3 =	sadd.s32 s3, s5;
	[dreg:$0x0] =	wrdreg $0x0  }
0xb7: {  	s5 =	sshll.u32 s28, $0x1;
	[dreg:$0x2] =	wrdreg s3  }
0xb8: {  	[dreg:$0x3] =	wrdreg s5  }
0xb9: {  	[dreg:$0x4] =	wrdreg $0xC0  }
0xba: {  	_ =	task [dreg:s22], $0x5FFFF  }
0xbb: {  	[dreg:$0x1] =	wrdreg $0xFFFFFFFF  }
0xbc: {  	[dreg:$0x0] =	wrdreg $0x60  }
0xbd: {  	[dreg:$0x2] =	wrdreg s24  }
0xbe: {  	[dreg:$0x3] =	wrdreg $0xB  }
0xbf: {  	_ =	task.clear_ibuf [dreg:s22], $0x4FFFF;
	_ =	strace $0x9000004C  }
0xc0: {  	s29 =	simm.s32 $0xB;
	_ =	strace $0x8000004E  }
0xc1: {  	_ =	swait.ge [sflag:s29], $0x1  }
0xc2: {  	[sflag:s29] =	ssyncadd.s32 $0xFFFFFFFF  }
0xc3: {  	_ =	strace $0x9000004E  }
0xc4: {  	_ =	sfence  }
0xc5: {  	s30 =	sld [smem:$0x0];
	_ =	sdelay $0x2  }
0xc6: {  	s31 =	sshll.u32 s1, $0xD;
	s1 =	sshrl.u32 s1, $0x2  }
0xc7: {  	s4 =	sand.u32 $0x4000, s31;
	s1 =	sadd.s32 s1, s30  }
0xc8: {  	s0 =	sor.u32 s4, s0;
	s1 =	sshll.u32 s1, $0x11  }
0xc9: {  	s0 =	sor.u32 s1, s0  }
0xca: {  	s0 =	sadd.s32 $0x8F2B, s0  }
0xcb: {  	[sflag:s0] =	ssyncadd.remote.s32 $0x1  }
0xcc: {  	_ =	sfence.sel $0xFFFF  }
0xcd: {  	[dreg:$0x0] =	wrdreg $0xFFFFFFFF;
	(pc) =	sbr.abs _section_cstart, $3  }
0xce: {  	[dreg:$0x1] =	wrdreg $0xFFFFFFFF  }
0xcf: {  	_ =	task.clear_ibuf [dreg:s22], $0x2FFFF;
	_ =	strace $0x9FFFFFFF  }
0xd0: {  	(tm) =	ssettm $0x7FFFFFFF  }
0xd1: {  	_ =	shalt  }
tec
execute0_lowered:
.L_overlay_start_1:
0x0: {  	(tag) =	ssettag $0x1  }
0x1: {  	s4 =	rddreg [dreg:$0x0]  }
0x2: {  	s0 =	rddreg [dreg:$0x1];
	s1 =	simm.s32 $0x0;
	s5 =	srdreg.scid  }
0x3: {  	s2 =	stileid.u32;
	[smem:$0x7FF] =	sst s1  }
0x4: {  	s3 =	sadd.s32 $0x4600, s4;
	s5 =	sand.u32 $0x1, s5;
	s6 =	sshll.u32 s2, $0x8  }
0x5: {  	s7 =	sshll.u32 s2, $0xE;
	_ =	strace $0x8000004D;
	s8 =	ssub.s32 $0x2, s5  }
0x6: {  	s6 =	sadd.s32 s6, s4;
	s7 =	sadd.s32 s7, s4;
	s9 =	sshll.u32 s5, $0xD  }
0x7: {  	s5 =	sshll.u32 s5, $0x7;
	s4 =	sshll.u32 s2, $0x1;
	s30 =	sshrl.u32 s8, $0x1  }
0x8: {  	s7 =	sadd.s32 s9, s7;
	s31 =	sadd.s32 s5, s6;
	s8 =	ssub.s32 s8, s30  }
0x9: {  	s6 =	sadd.s32 $0x261C00, s7;
	s7 =	sadd.s32 $0x25B800, s31;
	s5 =	smax.u32 s8, $0x1  }
.LBB2_1:
0xa: {  	s8 =	sadd.s32 $0x0, s4  }
0xb: {  	p0 =	sgt.u32 s8, $0xC7  }
0xc: {  	s8 =	simm.s32 @!p0 $0x0;
	s9 =	simm.s32 @!p0 $0x3  }
0xd: {  	[tilespmem:s8], [sflag:$0x3] =	stream.linear.gather @!p0 [hbm4b:s7+s8], $0x400, $0x38;
	[tilespmem:$0x10400] =	vst v63  }
0xe: {  	_ =	swait.ge @!p0 [sflag:s9], $0x400  }
0xf: {  	[sflag:s9] =	ssyncset.done @!p0 $0x0;
	p0 =	por p0, p0  }
0x10: {  	[sflag:s9] =	ssyncadd.s32 @!p0 $0xFFFFFC00;
	s9 =	simm.s32 @!p0 $0x80;
	s10 =	simm.s32 @!p0 $0x400  }
0x11: {  	[tilespmem:s10], [sflag:$0x1] =	stream.indirect.gather @!p0 [hbm4b:s3+s9], $0x40, s8, s9, $0xb8;
	[tilespmem:$0x10400] =	vst v63  }
0x12: {  	s11 =	simm.s32 @!p0 $0x2400  }
0x13: {  	[tilespmem:s11], [sflag:$0x1] =	stream.indirect.gather @!p0 [hbm4b:s3+s9], $0x40, s9, s9, $0xb8;
	[tilespmem:$0x10400] =	vst v63  }
0x14: {  	s12 =	simm.s32 @!p0 $0x4400;
	s11 =	simm.s32 @!p0 $0x100  }
0x15: {  	[tilespmem:s12], [sflag:$0x1] =	stream.indirect.gather @!p0 [hbm4b:s3+s9], $0x40, s11, s9, $0xb8;
	[tilespmem:$0x10400] =	vst v63  }
0x16: {  	s11 =	simm.s32 @!p0 $0x180;
	s12 =	simm.s32 @!p0 $0x6400  }
0x17: {  	[tilespmem:s12], [sflag:$0x1] =	stream.indirect.gather @!p0 [hbm4b:s3+s9], $0x40, s11, s9, $0xb8;
	[tilespmem:$0x10400] =	vst v63  }
0x18: {  	s11 =	simm.s32 @!p0 $0x200;
	s12 =	simm.s32 @!p0 $0x8400  }
0x19: {  	[tilespmem:s12], [sflag:$0x1] =	stream.indirect.gather @!p0 [hbm4b:s3+s9], $0x40, s11, s9, $0xb8;
	[tilespmem:$0x10400] =	vst v63  }
0x1a: {  	s11 =	simm.s32 @!p0 $0x280;
	s12 =	simm.s32 @!p0 $0xA400  }
0x1b: {  	[tilespmem:s12], [sflag:$0x1] =	stream.indirect.gather @!p0 [hbm4b:s3+s9], $0x40, s11, s9, $0xb8;
	[tilespmem:$0x10400] =	vst v63  }
0x1c: {  	s11 =	simm.s32 @!p0 $0x300;
	s12 =	simm.s32 @!p0 $0xC400  }
0x1d: {  	[tilespmem:s12], [sflag:$0x1] =	stream.indirect.gather @!p0 [hbm4b:s3+s9], $0x40, s11, s9, $0xb8;
	[tilespmem:$0x10400] =	vst v63  }
0x1e: {  	s13 =	simm.s32 @!p0 $0x1;
	s11 =	simm.s32 @!p0 $0x380;
	s12 =	simm.s32 @!p0 $0xE400  }
0x1f: {  	[tilespmem:s12], [sflag:$0x1] =	stream.indirect.gather @!p0 [hbm4b:s3+s9], $0x40, s11, s9, $0xb8;
	[tilespmem:$0x10400] =	vst v63  }
0x20: {  	_ =	swait.ge @!p0 [sflag:s13], $0x2000  }
0x21: {  	[sflag:s13] =	ssyncset.done @!p0 $0x0  }
0x22: {  	[sflag:s13] =	ssyncadd.s32 @!p0 $0xFFFFE000  }
0x23: {  	_ =	swait.ge @!p0 [sflag:s13], $0x2000  }
0x24: {  	[sflag:s13] =	ssyncset.done @!p0 $0x0  }
0x25: {  	[sflag:s13] =	ssyncadd.s32 @!p0 $0xFFFFE000  }
0x26: {  	_ =	swait.ge @!p0 [sflag:s13], $0x2000  }
0x27: {  	[sflag:s13] =	ssyncset.done @!p0 $0x0  }
0x28: {  	[sflag:s13] =	ssyncadd.s32 @!p0 $0xFFFFE000  }
0x29: {  	_ =	swait.ge @!p0 [sflag:s13], $0x2000  }
0x2a: {  	[sflag:s13] =	ssyncset.done @!p0 $0x0  }
0x2b: {  	[sflag:s13] =	ssyncadd.s32 @!p0 $0xFFFFE000  }
0x2c: {  	_ =	swait.ge @!p0 [sflag:s13], $0x2000  }
0x2d: {  	[sflag:s13] =	ssyncset.done @!p0 $0x0  }
0x2e: {  	[sflag:s13] =	ssyncadd.s32 @!p0 $0xFFFFE000  }
0x2f: {  	_ =	swait.ge @!p0 [sflag:s13], $0x2000  }
0x30: {  	[sflag:s13] =	ssyncset.done @!p0 $0x0  }
0x31: {  	[sflag:s13] =	ssyncadd.s32 @!p0 $0xFFFFE000  }
0x32: {  	_ =	swait.ge @!p0 [sflag:s13], $0x2000  }
0x33: {  	[sflag:s13] =	ssyncset.done @!p0 $0x0  }
0x34: {  	[sflag:s13] =	ssyncadd.s32 @!p0 $0xFFFFE000  }
0x35: {  	_ =	swait.ge @!p0 [sflag:s13], $0x2000  }
0x36: {  	[sflag:s13] =	ssyncset.done @!p0 $0x0  }
0x37: {  	s31 =	sadd.s32 $0x20, s4;
	s14 =	simm.s32 @!p0 $0x2;
	[sflag:s13] =	ssyncadd.s32 @!p0 $0xFFFFE000  }
0x38: {  	[hbm4b:s6+s8] =	stream.linear.scatter @!p0 [tilespmem:s10], [sflag:$0x2], $0x10000, $0x38;
	[tilespmem:$0x10400] =	vst v63  }
0x39: {  	p2 =	sgt.u32 s31, $0xC7;
	s9 =	simm.s32 $0x40;
	_ =	swait.ge @!p0 [sflag:s14], $0x10000  }
0x3a: {  	s10 =	sadd.s32 $0x1000, s7;
	s8 =	sadd.s32 $0x40000, s6;
	[sflag:s14] =	ssyncset.done @!p0 $0x0  }
.LBB2_2:
0x3b: {  	s11 =	simm.s32 @!p2 $0x0;
	s13 =	simm.s32 @!p2 $0x3;
	[sflag:s14] =	ssyncadd.s32 @!p0 $0xFFFF0000  }
0x3c: {  	[tilespmem:s11], [sflag:$0x3] =	stream.linear.gather @!p2 [hbm4b:s10+s11], $0x400, $0x38;
	[tilespmem:$0x10400] =	vst v63  }
0x3d: {  	s12 =	smov.u32 s9;
	s9 =	sadd.s32 $0x20, s9;
	_ =	swait.ge @!p2 [sflag:s13], $0x400  }
0x3e: {  	p0 =	por p2, p2;
	p1 =	sne.s32 s9, $0xE0;
	[sflag:s13] =	ssyncset.done @!p2 $0x0  }
0x3f: {  	s14 =	simm.s32 @!p0 $0x80;
	[sflag:s13] =	ssyncadd.s32 @!p0 $0xFFFFFC00;
	s13 =	simm.s32 @!p0 $0x400  }
0x40: {  	[tilespmem:s13], [sflag:$0x1] =	stream.indirect.gather @!p0 [hbm4b:s3+s14], $0x40, s11, s14, $0xb8;
	[tilespmem:$0x10400] =	vst v63  }
0x41: {  	s15 =	simm.s32 @!p0 $0x2400  }
0x42: {  	[tilespmem:s15], [sflag:$0x1] =	stream.indirect.gather @!p0 [hbm4b:s3+s14], $0x40, s14, s14, $0xb8;
	[tilespmem:$0x10400] =	vst v63  }
0x43: {  	s16 =	simm.s32 @!p0 $0x4400;
	s15 =	simm.s32 @!p0 $0x100  }
0x44: {  	[tilespmem:s16], [sflag:$0x1] =	stream.indirect.gather @!p0 [hbm4b:s3+s14], $0x40, s15, s14, $0xb8;
	[tilespmem:$0x10400] =	vst v63  }
0x45: {  	s15 =	simm.s32 @!p0 $0x180;
	s16 =	simm.s32 @!p0 $0x6400  }
0x46: {  	[tilespmem:s16], [sflag:$0x1] =	stream.indirect.gather @!p0 [hbm4b:s3+s14], $0x40, s15, s14, $0xb8;
	[tilespmem:$0x10400] =	vst v63  }
0x47: {  	s15 =	simm.s32 @!p0 $0x200;
	s16 =	simm.s32 @!p0 $0x8400  }
0x48: {  	[tilespmem:s16], [sflag:$0x1] =	stream.indirect.gather @!p0 [hbm4b:s3+s14], $0x40, s15, s14, $0xb8;
	[tilespmem:$0x10400] =	vst v63  }
0x49: {  	s15 =	simm.s32 @!p0 $0x280;
	s16 =	simm.s32 @!p0 $0xA400  }
0x4a: {  	[tilespmem:s16], [sflag:$0x1] =	stream.indirect.gather @!p0 [hbm4b:s3+s14], $0x40, s15, s14, $0xb8;
	[tilespmem:$0x10400] =	vst v63  }
0x4b: {  	s15 =	simm.s32 @!p0 $0x300;
	s16 =	simm.s32 @!p0 $0xC400  }
0x4c: {  	[tilespmem:s16], [sflag:$0x1] =	stream.indirect.gather @!p0 [hbm4b:s3+s14], $0x40, s15, s14, $0xb8;
	[tilespmem:$0x10400] =	vst v63  }
0x4d: {  	s17 =	simm.s32 @!p0 $0x1;
	s15 =	simm.s32 @!p0 $0x380;
	s16 =	simm.s32 @!p0 $0xE400  }
0x4e: {  	[tilespmem:s16], [sflag:$0x1] =	stream.indirect.gather @!p0 [hbm4b:s3+s14], $0x40, s15, s14, $0xb8;
	[tilespmem:$0x10400] =	vst v63  }
0x4f: {  	_ =	swait.ge @!p0 [sflag:s17], $0x2000  }
0x50: {  	[sflag:s17] =	ssyncset.done @!p0 $0x0  }
0x51: {  	[sflag:s17] =	ssyncadd.s32 @!p0 $0xFFFFE000  }
0x52: {  	_ =	swait.ge @!p0 [sflag:s17], $0x2000  }
0x53: {  	[sflag:s17] =	ssyncset.done @!p0 $0x0  }
0x54: {  	[sflag:s17] =	ssyncadd.s32 @!p0 $0xFFFFE000  }
0x55: {  	_ =	swait.ge @!p0 [sflag:s17], $0x2000  }
0x56: {  	[sflag:s17] =	ssyncset.done @!p0 $0x0  }
0x57: {  	[sflag:s17] =	ssyncadd.s32 @!p0 $0xFFFFE000  }
0x58: {  	_ =	swait.ge @!p0 [sflag:s17], $0x2000  }
0x59: {  	[sflag:s17] =	ssyncset.done @!p0 $0x0  }
0x5a: {  	[sflag:s17] =	ssyncadd.s32 @!p0 $0xFFFFE000  }
0x5b: {  	_ =	swait.ge @!p0 [sflag:s17], $0x2000  }
0x5c: {  	[sflag:s17] =	ssyncset.done @!p0 $0x0  }
0x5d: {  	[sflag:s17] =	ssyncadd.s32 @!p0 $0xFFFFE000  }
0x5e: {  	_ =	swait.ge @!p0 [sflag:s17], $0x2000  }
0x5f: {  	[sflag:s17] =	ssyncset.done @!p0 $0x0  }
0x60: {  	[sflag:s17] =	ssyncadd.s32 @!p0 $0xFFFFE000  }
0x61: {  	_ =	swait.ge @!p0 [sflag:s17], $0x2000  }
0x62: {  	[sflag:s17] =	ssyncset.done @!p0 $0x0  }
0x63: {  	[sflag:s17] =	ssyncadd.s32 @!p0 $0xFFFFE000  }
0x64: {  	_ =	swait.ge @!p0 [sflag:s17], $0x2000  }
.Ltmp0:
0x65: {  	[sflag:s17] =	ssyncset.done @!p0 $0x0;
	(pc) =	sbr.rel @p1 .LBB2_2-.Ltmp0, $4  }
0x66: {  	s14 =	simm.s32 @!p0 $0x2;
	[sflag:s17] =	ssyncadd.s32 @!p0 $0xFFFFE000  }
0x67: {  	[hbm4b:s8+s11] =	stream.linear.scatter @!p0 [tilespmem:s13], [sflag:$0x2], $0x10000, $0x38;
	[tilespmem:$0x10400] =	vst v63  }
0x68: {  	s10 =	sadd.s32 $0x1000, s10;
	s11 =	sadd.s32 s12, s4;
	_ =	swait.ge @!p0 [sflag:s14], $0x10000  }
0x69: {  	s8 =	sadd.s32 $0x40000, s8;
	p2 =	sgt.u32 s11, $0xC7;
	[sflag:s14] =	ssyncset.done @!p0 $0x0  }
0x6a: {  	s9 =	simm.s32 @!p2 $0x0;
	s11 =	simm.s32 @!p2 $0x3;
	[sflag:s14] =	ssyncadd.s32 @!p0 $0xFFFF0000  }
0x6b: {  	[tilespmem:s9], [sflag:$0x3] =	stream.linear.gather @!p2 [hbm4b:s10+s9], $0x400, $0x38;
	[tilespmem:$0x10400] =	vst v63  }
0x6c: {  	_ =	swait.ge @!p2 [sflag:s11], $0x400  }
0x6d: {  	p0 =	por p2, p2;
	[sflag:s11] =	ssyncset.done @!p2 $0x0  }
0x6e: {  	s10 =	simm.s32 @!p0 $0x80;
	[sflag:s11] =	ssyncadd.s32 @!p0 $0xFFFFFC00;
	s11 =	simm.s32 @!p0 $0x400  }
0x6f: {  	[tilespmem:s11], [sflag:$0x1] =	stream.indirect.gather @!p0 [hbm4b:s3+s10], $0x40, s9, s10, $0xb8;
	[tilespmem:$0x10400] =	vst v63  }
0x70: {  	s12 =	simm.s32 @!p0 $0x2400  }
0x71: {  	[tilespmem:s12], [sflag:$0x1] =	stream.indirect.gather @!p0 [hbm4b:s3+s10], $0x40, s10, s10, $0xb8;
	[tilespmem:$0x10400] =	vst v63  }
0x72: {  	s13 =	simm.s32 @!p0 $0x4400;
	s12 =	simm.s32 @!p0 $0x100  }
0x73: {  	[tilespmem:s13], [sflag:$0x1] =	stream.indirect.gather @!p0 [hbm4b:s3+s10], $0x40, s12, s10, $0xb8;
	[tilespmem:$0x10400] =	vst v63  }
0x74: {  	s12 =	simm.s32 @!p0 $0x180;
	s13 =	simm.s32 @!p0 $0x6400  }
0x75: {  	[tilespmem:s13], [sflag:$0x1] =	stream.indirect.gather @!p0 [hbm4b:s3+s10], $0x40, s12, s10, $0xb8;
	[tilespmem:$0x10400] =	vst v63  }
0x76: {  	s12 =	simm.s32 @!p0 $0x200;
	s13 =	simm.s32 @!p0 $0x8400  }
0x77: {  	[tilespmem:s13], [sflag:$0x1] =	stream.indirect.gather @!p0 [hbm4b:s3+s10], $0x40, s12, s10, $0xb8;
	[tilespmem:$0x10400] =	vst v63  }
0x78: {  	s12 =	simm.s32 @!p0 $0x280;
	s13 =	simm.s32 @!p0 $0xA400  }
0x79: {  	[tilespmem:s13], [sflag:$0x1] =	stream.indirect.gather @!p0 [hbm4b:s3+s10], $0x40, s12, s10, $0xb8;
	[tilespmem:$0x10400] =	vst v63  }
0x7a: {  	s12 =	simm.s32 @!p0 $0x300;
	s13 =	simm.s32 @!p0 $0xC400  }
0x7b: {  	[tilespmem:s13], [sflag:$0x1] =	stream.indirect.gather @!p0 [hbm4b:s3+s10], $0x40, s12, s10, $0xb8;
	[tilespmem:$0x10400] =	vst v63  }
0x7c: {  	s14 =	simm.s32 @!p0 $0x1;
	s12 =	simm.s32 @!p0 $0x380;
	s13 =	simm.s32 @!p0 $0xE400  }
0x7d: {  	[tilespmem:s13], [sflag:$0x1] =	stream.indirect.gather @!p0 [hbm4b:s3+s10], $0x40, s12, s10, $0xb8;
	[tilespmem:$0x10400] =	vst v63  }
0x7e: {  	_ =	swait.ge @!p0 [sflag:s14], $0x2000  }
0x7f: {  	[sflag:s14] =	ssyncset.done @!p0 $0x0  }
0x80: {  	[sflag:s14] =	ssyncadd.s32 @!p0 $0xFFFFE000  }
0x81: {  	_ =	swait.ge @!p0 [sflag:s14], $0x2000  }
0x82: {  	[sflag:s14] =	ssyncset.done @!p0 $0x0  }
0x83: {  	[sflag:s14] =	ssyncadd.s32 @!p0 $0xFFFFE000  }
0x84: {  	_ =	swait.ge @!p0 [sflag:s14], $0x2000  }
0x85: {  	[sflag:s14] =	ssyncset.done @!p0 $0x0  }
0x86: {  	[sflag:s14] =	ssyncadd.s32 @!p0 $0xFFFFE000  }
0x87: {  	_ =	swait.ge @!p0 [sflag:s14], $0x2000  }
0x88: {  	[sflag:s14] =	ssyncset.done @!p0 $0x0  }
0x89: {  	[sflag:s14] =	ssyncadd.s32 @!p0 $0xFFFFE000  }
0x8a: {  	_ =	swait.ge @!p0 [sflag:s14], $0x2000  }
0x8b: {  	[sflag:s14] =	ssyncset.done @!p0 $0x0  }
0x8c: {  	[sflag:s14] =	ssyncadd.s32 @!p0 $0xFFFFE000  }
0x8d: {  	_ =	swait.ge @!p0 [sflag:s14], $0x2000  }
0x8e: {  	[sflag:s14] =	ssyncset.done @!p0 $0x0  }
0x8f: {  	[sflag:s14] =	ssyncadd.s32 @!p0 $0xFFFFE000  }
0x90: {  	_ =	swait.ge @!p0 [sflag:s14], $0x2000  }
0x91: {  	[sflag:s14] =	ssyncset.done @!p0 $0x0  }
0x92: {  	[sflag:s14] =	ssyncadd.s32 @!p0 $0xFFFFE000  }
0x93: {  	s1 =	sadd.s32 $0x1, s1;
	_ =	swait.ge @!p0 [sflag:s14], $0x2000  }
0x94: {  	p1 =	sne.s32 s1, s5;
	[sflag:s14] =	ssyncset.done @!p0 $0x0  }
.Ltmp1:
0x95: {  	s10 =	simm.s32 @!p0 $0x2;
	[sflag:s14] =	ssyncadd.s32 @!p0 $0xFFFFE000;
	(pc) =	sbr.rel @p1 .LBB2_1-.Ltmp1, $4  }
0x96: {  	[hbm4b:s8+s9] =	stream.linear.scatter @!p0 [tilespmem:s11], [sflag:$0x2], $0x10000, $0x38;
	[tilespmem:$0x10400] =	vst v63  }
0x97: {  	_ =	swait.ge @!p0 [sflag:s10], $0x10000  }
0x98: {  	[sflag:s10] =	ssyncset.done @!p0 $0x0  }
0x99: {  	[sflag:s10] =	ssyncadd.s32 @!p0 $0xFFFF0000  }
0x9a: {  	_ =	sfence.sel $0x180000  }
0x9b: {  	[bflag:$0x0] =	sbarrier.arrive $0xFFFF  }
0x9c: {  	p0 =	sne.s32 s2, $0x0;
	_ =	strace $0x9000004D  }
0x9d: {  	s0 =	sadd.s32 @!p0 $0x100000, s0;
	[bflag:$0x2] =	sbarrier.arrive $0xFFFF  }
0x9e: {  	[sflag:s0] =	ssyncadd.tile.s32 @!p0 $0x1;
	_ =	shalt  }
.Lfunc_end2:
_tile_overlayer_lowered:
.L_overlay_start_2:
0x9f: {  	(tag) =	ssettag $0x2  }
0xa0: {  	s0 =	rddreg [dreg:$0x0];
	s2 =	stileid.u32  }
0xa1: {  	s1 =	rddreg [dreg:$0x1];
	p0 =	sne.s32 s2, $0x0  }
0xa2: {  	s3 =	rddreg [dreg:$0x2];
	[bflag:$0x3] =	sbarrier.arrive $0xFFFF;
	s2 =	simm.s32 @!p0 $0x1C02  }
0xa3: {  	[timem:s3], [sflag:s2] =	dma.local @!p0 [hbm:s0], s1  }
0xa4: {  	s0 =	simm.s32 @!p0 $0x2  }
0xa5: {  	_ =	swait.ge @!p0 [sflag:s0], s1  }
0xa6: {  	s1 =	ssub.s32 @!p0 $0x0, s1;
	[sflag:s0] =	ssyncset.done @!p0 $0x0  }
0xa7: {  	[sflag:s0] =	ssyncadd.s32 @!p0 s1  }
0xa8: {  	[bflag:$0x3] =	sbarrier.arrive $0xFFFF  }
0xa9: {  	_ =	shalt  }

// kernel: kernel.8.cloned.1.call-start
scs
__scs_entry_jumppad:
0x0: {  	(pc) =	sbr.rel $0x88, $3  }
0x1: {  	(tag) =	ssettag $0x0;
	lr =	simm.s32 $0x1  }
0x2: {  	[smem:$0x3F99] =	sst lr;
	_ =	strace $0xD0000000  }
0x3: {  	_ = 	snop  }
0x4: {  	_ = 	snop  }
0x5: {  	_ = 	snop  }
0x6: {  	_ = 	snop  }
0x7: {  	_ = 	snop  }
__scs_overlays_trampoline_lowered:
0x8: {  	[smem:$0x3FA8] =	sst s0  }
0x9: {  	[smem:$0x3FA9] =	sst s1  }
0xa: {  	[smem:$0x3FAA] =	sst s2  }
0xb: {  	[smem:$0x3FAB] =	sst s3  }
0xc: {  	[smem:$0x3FAC] =	sst s4  }
0xd: {  	[smem:$0x3FAD] =	sst s5  }
0xe: {  	[smem:$0x3FAE] =	sst s6  }
0xf: {  	[smem:$0x3FAF] =	sst s7  }
0x10: {  	[smem:$0x3FB0] =	sst s8  }
0x11: {  	[smem:$0x3FB1] =	sst s9;
	s0 =	simm.s32 @!p0 $0x0  }
0x12: {  	s1 =	sld [smem:$0x3F97];
	s0 =	simm.s32 @p0 $0x1  }
0x13: {  	[smem:$0x3FB2] =	sst s0;
	s0 =	simm.s32 @!p1 $0x0  }
0x14: {  	s2 =	sld [smem:$0x3F96];
	s0 =	simm.s32 @p1 $0x1  }
0x15: {  	[smem:$0x3FB3] =	sst s0;
	s0 =	simm.s32 @!p2 $0x0  }
0x16: {  	s3 =	sld [smem:$0x3FDB];
	s0 =	simm.s32 @p2 $0x1  }
0x17: {  	s4 =	simm.s32 $0x1BF5;
	[smem:$0x3FB5] =	sst s0  }
0x18: {  	s0 =	sld [smem:$0x3F98];
	_ =	swait.ge [sflag:s4], $0x0  }
0x19: {  	s7 =	sld [smem:$0x3F99]  }
0x1a: {  	s8 =	sadd.s32 $0xFFFFE003, lr  }
0x1b: {  	s9 =	sadd.s32 $0xFFFFFEF7, lr;
	s5 =	simm.s32 $0xFFFFFFFF;
	p2 =	slt.u32 s8, $0xFFFFF086  }
0x1c: {  	p1 =	slt.u32 s9, $0xF7A;
	s5 =	simm.s32 @!p2 $0x0  }
0x1d: {  	s5 =	simm.s32 @p1 $0x1;
	p0 =	seq.s32 s7, s2  }
0x1e: {  	s7 =	smul.u32 @!p0 $0xF7A, s2;
	p2 =	seq.s32 @!p0 s5, $0x0  }
0x1f: {  	s9 =	smul.u32 $0xF7A, s1;
	s8 =	simm.s32 @!p0 $0x1BF5;
	p2 =	por !p2, p0  }
0x20: {  	[sflag:s8] =	ssyncset.s32 @!p0 $0xFFFFF086;
	s6 =	sadd.s32 @!p0 s3, s7;
	s7 =	simm.s32 @!p0 $0x108  }
0x21: {  	s3 =	sadd.s32 s3, s9;
	s6 =	sadd.s32 @!p0 $0x88, s6;
	s7 =	simm.s32 @p2 $0x1082  }
0x22: {  	[simem:s7], [sflag:s8] =	dma.local @!p0 [hbm:s6], $0xF7A  }
0x23: {  	s9 =	sor.u32 $0xD0000000, s2;
	s6 =	simm.s32 $0x108;
	_ =	swait.ge @!p0 [sflag:s8], $0x0  }
0x24: {  	s3 =	sadd.s32 $0x88, s3;
	s6 =	simm.s32 @!p1 $0x1082;
	[sflag:s4] =	ssyncset.s32 $0xFFFFF086  }
0x25: {  	[simem:s6], [sflag:s4] =	dma.local [hbm:s3], $0xF7A  }
0x26: {  	[smem:$0x3F99] =	sst s1;
	(tag) =	ssettag s2;
	_ =	strace s9  }
0x27: {  	s1 =	sld [smem:$0x3FA9]  }
0x28: {  	s2 =	sld [smem:$0x3FAA]  }
0x29: {  	s4 =	sld [smem:$0x3FAC]  }
0x2a: {  	p0 =	seq.s32 s5, $0x0;
	s5 =	sld [smem:$0x3FAD]  }
0x2b: {  	s6 =	sld [smem:$0x3FAE]  }
0x2c: {  	s7 =	sld [smem:$0x3FAF]  }
0x2d: {  	s3 =	simm.s32 $0x108;
	s8 =	sld [smem:$0x3FB0]  }
0x2e: {  	s3 =	simm.s32 @!p0 $0x1082;
	s9 =	sld [smem:$0x3FB1]  }
0x2f: {  	lr =	sadd.s32 s0, s3;
	s0 =	sld [smem:$0x3FA8]  }
0x30: {  	s3 =	sld [smem:$0x3FAB]  }
0x31: {  	[smem:$0x3FB4] =	sst s10  }
0x32: {  	s10 =	sld [smem:$0x3FB2];
	_ =	sdelay $0x3  }
0x33: {  	p0 =	seq.s32 s10, $0x1;
	s10 =	sld [smem:$0x3FB4];
	_ =	sdelay $0x3  }
0x34: {  	[smem:$0x3FB4] =	sst s10  }
0x35: {  	s10 =	sld [smem:$0x3FB3];
	_ =	sdelay $0x3  }
0x36: {  	p1 =	seq.s32 s10, $0x1;
	s10 =	sld [smem:$0x3FB4];
	_ =	sdelay $0x3  }
0x37: {  	[smem:$0x3FB4] =	sst s10  }
0x38: {  	s10 =	sld [smem:$0x3FB5]  }
0x39: {  	_ = 	snop;
	(pc) =	sbr.ind lr, $3  }
0x3a: {  	_ = 	snop  }
0x3b: {  	_ = 	snop  }
0x3c: {  	p2 =	seq.s32 s10, $0x1;
	s10 =	sld [smem:$0x3FB4]  }
0x3d: {  	_ =	shalt  }
0x3e: {  	_ =	shalt  }
0x3f: {  	_ =	shalt  }
0x40: {  	_ =	shalt  }
0x41: {  	_ =	shalt  }
0x42: {  	_ =	shalt  }
0x43: {  	_ =	shalt  }
0x44: {  	_ =	shalt  }
0x45: {  	_ =	shalt  }
0x46: {  	_ =	shalt  }
0x47: {  	_ =	shalt  }
0x48: {  	_ =	shalt  }
0x49: {  	_ =	shalt  }
0x4a: {  	_ =	shalt  }
0x4b: {  	_ =	shalt  }
0x4c: {  	_ =	shalt  }
0x4d: {  	_ =	shalt  }
0x4e: {  	_ =	shalt  }
0x4f: {  	_ =	shalt  }
0x50: {  	_ =	shalt  }
0x51: {  	_ =	shalt  }
0x52: {  	_ =	shalt  }
0x53: {  	_ =	shalt  }
0x54: {  	_ =	shalt  }
0x55: {  	_ =	shalt  }
0x56: {  	_ =	shalt  }
0x57: {  	_ =	shalt  }
0x58: {  	_ =	shalt  }
0x59: {  	_ =	shalt  }
0x5a: {  	_ =	shalt  }
0x5b: {  	_ =	shalt  }
0x5c: {  	_ =	shalt  }
0x5d: {  	_ =	shalt  }
0x5e: {  	_ =	shalt  }
0x5f: {  	_ =	shalt  }
0x60: {  	_ =	shalt  }
0x61: {  	_ =	shalt  }
0x62: {  	_ =	shalt  }
0x63: {  	_ =	shalt  }
0x64: {  	_ =	shalt  }
0x65: {  	_ =	shalt  }
0x66: {  	_ =	shalt  }
0x67: {  	_ =	shalt  }
0x68: {  	_ =	shalt  }
0x69: {  	_ =	shalt  }
0x6a: {  	_ =	shalt  }
0x6b: {  	_ =	shalt  }
0x6c: {  	_ =	shalt  }
0x6d: {  	_ =	shalt  }
0x6e: {  	_ =	shalt  }
0x6f: {  	_ =	shalt  }
0x70: {  	_ =	shalt  }
0x71: {  	_ =	shalt  }
0x72: {  	_ =	shalt  }
0x73: {  	_ =	shalt  }
0x74: {  	_ =	shalt  }
0x75: {  	_ =	shalt  }
0x76: {  	_ =	shalt  }
0x77: {  	_ =	shalt  }
0x78: {  	_ =	shalt  }
0x79: {  	_ =	shalt  }
0x7a: {  	_ =	shalt  }
0x7b: {  	_ =	shalt  }
0x7c: {  	_ =	shalt  }
0x7d: {  	_ =	shalt  }
0x7e: {  	_ =	shalt  }
0x7f: {  	_ =	shalt  }
0x80: {  	_ =	shalt  }
0x81: {  	_ =	shalt  }
0x82: {  	_ =	shalt  }
0x83: {  	_ =	shalt  }
0x84: {  	_ =	shalt  }
0x85: {  	_ =	shalt  }
0x86: {  	_ =	shalt  }
0x87: {  	_ =	shalt  }
.Lfunc_end0:
.L_simem_size_0:
called_computation_lowered:
.L_overlay_start_0:
0x88: {  	s2 =	sld [smem:$0x3FD9]  }
0x89: {  	s3 =	sld [smem:$0x3FFE];
	_ =	sdelay $0x1  }
0x8a: {  	s1 =	srdreg.scid  }
0x8b: {  	s0 =	sand.u32 $0x1, s1  }
0x8c: {  	s16 =	sshll.u32 s0, $0xA;
	s2 =	sadd.s32 s3, s2  }
0x8d: {  	s2 =	sadd.s32 s2, s16  }
0x8e: {  	[smem:$0x3FC0] =	sst s2  }
0x8f: {  	_ = 	snop  }
0x90: {  	(tm) =	ssettm $0x1  }
0x91: {  	s17 =	sld [smem:$0x3FFB];
	_ =	sdelay $0x3  }
0x92: {  	_ =	strace s17  }
0x93: {  	s2 =	sld [smem:$0x3FFC];
	_ =	sdelay $0x3  }
0x94: {  	_ =	strace s2  }
0x95: {  	s2 =	sld [smem:$0x3FFD];
	_ =	sdelay $0x3  }
0x96: {  	_ =	strace s2  }
0x97: {  	_ =	strace $0x8FFFFFFF  }
0x98: {  	s18 =	sld [smem:$0x3FDB];
	_ =	sdelay $0x1  }
0x99: {  	s19 =	simm.s32 $_scs_section_size  }
0x9a: {  	s4 =	simm.s32 $_size__tile_overlayer_lowered;
	s5 =	simm.s32 $_tile_overlayer_lowered  }
0x9b: {  	s22 =	simm.s32 $0x1BFF;
	s21 =	sshll.u32 s5, $0x1;
	s2 =	sadd.s32 s19, s18  }
0x9c: {  	s6 =	simm.s32 $0x0;
	s20 =	sshll.u32 s4, $0x1;
	s4 =	sadd.s32 s21, s2  }
0x9d: {  	[timem:s6], [sflag:s22] =	dma.local [hbm:s4], s20  }
0x9e: {  	_ =	swait.ge [sflag:s22], s20  }
0x9f: {  	s3 =	ssub.s32 $0x0, s20;
	[sflag:s22] =	ssyncset.done $0x0  }
0xa0: {  	[sflag:s22] =	ssyncadd.s32 s3;
	_ =	sdelay $0x1  }
0xa1: {  	s23 =	simm.s32 $0x1B8B  }
0xa2: {  	_ =	swait.ge [sflag:s23], $0x1  }
0xa3: {  	[sflag:s23] =	ssyncset.done $0x0  }
0xa4: {  	s25 =	simm.s32 $0x1B8E;
	s24 =	sld [smem:$0x3FFE];
	[sflag:s23] =	ssyncadd.s32 $0xFFFFFFFF  }
0xa5: {  	s26 =	simm.s32 $execute0_lowered;
	[smem:$0x3FD2] =	sst s25  }
0xa6: {  	s4 =	sshll.u32 s26, $0x1;
	_ =	strace $0x80000046;
	[dreg:$0x1] =	wrdreg $0xFFFFFFFF  }
0xa7: {  	s28 =	simm.s32 $_size_execute0_lowered;
	s2 =	sadd.s32 s2, s4;
	[dreg:$0x0] =	wrdreg $0x0  }
0xa8: {  	s4 =	sshll.u32 s28, $0x1;
	[dreg:$0x2] =	wrdreg s2  }
0xa9: {  	[dreg:$0x3] =	wrdreg s4  }
0xaa: {  	[dreg:$0x4] =	wrdreg $0xC0  }
0xab: {  	_ =	task [dreg:s6], $0x5FFFF  }
0xac: {  	[dreg:$0x1] =	wrdreg $0xFFFFFFFF  }
0xad: {  	[dreg:$0x0] =	wrdreg $0x60  }
0xae: {  	[dreg:$0x2] =	wrdreg s24  }
0xaf: {  	[dreg:$0x3] =	wrdreg $0x9  }
0xb0: {  	_ =	task.clear_ibuf [dreg:s6], $0x4FFFF;
	_ =	strace $0x90000046  }
0xb1: {  	s29 =	simm.s32 $0x9;
	_ =	strace $0x80000048  }
0xb2: {  	_ =	swait.ge [sflag:s29], $0x1  }
0xb3: {  	[sflag:s29] =	ssyncadd.s32 $0xFFFFFFFF  }
0xb4: {  	_ =	strace $0x90000048  }
0xb5: {  	_ =	sfence  }
0xb6: {  	s30 =	sld [smem:$0x0];
	_ =	sdelay $0x2  }
0xb7: {  	s31 =	sshll.u32 s1, $0xD;
	s1 =	sshrl.u32 s1, $0x2  }
0xb8: {  	s3 =	sand.u32 $0x4000, s31;
	s1 =	sadd.s32 s1, s30  }
0xb9: {  	s0 =	sor.u32 s3, s0;
	s1 =	sshll.u32 s1, $0x11  }
0xba: {  	s0 =	sor.u32 s1, s0  }
0xbb: {  	s0 =	sadd.s32 $0x8F2B, s0  }
0xbc: {  	[sflag:s0] =	ssyncadd.remote.s32 $0x1  }
0xbd: {  	_ =	sfence.sel $0xFFFF  }
0xbe: {  	[dreg:$0x0] =	wrdreg $0xFFFFFFFF;
	(pc) =	sbr.abs _section_cstart, $3  }
0xbf: {  	[dreg:$0x1] =	wrdreg $0xFFFFFFFF  }
0xc0: {  	_ =	task.clear_ibuf [dreg:s6], $0x2FFFF;
	_ =	strace $0x9FFFFFFF  }
0xc1: {  	(tm) =	ssettm $0x7FFFFFFF  }
tec
execute0_lowered:
.L_overlay_start_1:
0x0: {  	(tag) =	ssettag $0x1  }
0x1: {  	s4 =	rddreg [dreg:$0x0]  }
0x2: {  	s0 =	rddreg [dreg:$0x1];
	s1 =	simm.s32 $0x0;
	s5 =	srdreg.scid  }
0x3: {  	s2 =	stileid.u32;
	[smem:$0x7FF] =	sst s1  }
0x4: {  	s3 =	sadd.s32 $0x4600, s4;
	s5 =	sand.u32 $0x1, s5;
	s6 =	sshll.u32 s2, $0x8  }
0x5: {  	s7 =	sshll.u32 s2, $0xE;
	_ =	strace $0x80000047;
	s8 =	ssub.s32 $0x2, s5  }
0x6: {  	s6 =	sadd.s32 s6, s4;
	s7 =	sadd.s32 s7, s4;
	s9 =	sshll.u32 s5, $0xD  }
0x7: {  	s5 =	sshll.u32 s5, $0x7;
	s4 =	sshll.u32 s2, $0x1;
	s30 =	sshrl.u32 s8, $0x1  }
0x8: {  	s7 =	sadd.s32 s9, s7;
	s31 =	sadd.s32 s5, s6;
	s8 =	ssub.s32 s8, s30  }
0x9: {  	s6 =	sadd.s32 $0xC7C00, s7;
	s7 =	sadd.s32 $0x1E00, s31;
	s5 =	smax.u32 s8, $0x1  }
.LBB2_1:
0xa: {  	s8 =	sadd.s32 $0x0, s4  }
0xb: {  	p0 =	sgt.u32 s8, $0x4F  }
0xc: {  	s8 =	simm.s32 @!p0 $0x0;
	s9 =	simm.s32 @!p0 $0x3  }
0xd: {  	[tilespmem:s8], [sflag:$0x3] =	stream.linear.gather @!p0 [hbm4b:s7+s8], $0x400, $0x38;
	[tilespmem:$0x10400] =	vst v63  }
0xe: {  	_ =	swait.ge @!p0 [sflag:s9], $0x400  }
0xf: {  	[sflag:s9] =	ssyncset.done @!p0 $0x0;
	p0 =	por p0, p0  }
0x10: {  	[sflag:s9] =	ssyncadd.s32 @!p0 $0xFFFFFC00;
	s9 =	simm.s32 @!p0 $0x80;
	s10 =	simm.s32 @!p0 $0x400  }
0x11: {  	[tilespmem:s10], [sflag:$0x1] =	stream.indirect.gather @!p0 [hbm4b:s3+s9], $0x40, s8, s9, $0xb8;
	[tilespmem:$0x10400] =	vst v63  }
0x12: {  	s11 =	simm.s32 @!p0 $0x2400  }
0x13: {  	[tilespmem:s11], [sflag:$0x1] =	stream.indirect.gather @!p0 [hbm4b:s3+s9], $0x40, s9, s9, $0xb8;
	[tilespmem:$0x10400] =	vst v63  }
0x14: {  	s12 =	simm.s32 @!p0 $0x4400;
	s11 =	simm.s32 @!p0 $0x100  }
0x15: {  	[tilespmem:s12], [sflag:$0x1] =	stream.indirect.gather @!p0 [hbm4b:s3+s9], $0x40, s11, s9, $0xb8;
	[tilespmem:$0x10400] =	vst v63  }
0x16: {  	s11 =	simm.s32 @!p0 $0x180;
	s12 =	simm.s32 @!p0 $0x6400  }
0x17: {  	[tilespmem:s12], [sflag:$0x1] =	stream.indirect.gather @!p0 [hbm4b:s3+s9], $0x40, s11, s9, $0xb8;
	[tilespmem:$0x10400] =	vst v63  }
0x18: {  	s11 =	simm.s32 @!p0 $0x200;
	s12 =	simm.s32 @!p0 $0x8400  }
0x19: {  	[tilespmem:s12], [sflag:$0x1] =	stream.indirect.gather @!p0 [hbm4b:s3+s9], $0x40, s11, s9, $0xb8;
	[tilespmem:$0x10400] =	vst v63  }
0x1a: {  	s11 =	simm.s32 @!p0 $0x280;
	s12 =	simm.s32 @!p0 $0xA400  }
0x1b: {  	[tilespmem:s12], [sflag:$0x1] =	stream.indirect.gather @!p0 [hbm4b:s3+s9], $0x40, s11, s9, $0xb8;
	[tilespmem:$0x10400] =	vst v63  }
0x1c: {  	s11 =	simm.s32 @!p0 $0x300;
	s12 =	simm.s32 @!p0 $0xC400  }
0x1d: {  	[tilespmem:s12], [sflag:$0x1] =	stream.indirect.gather @!p0 [hbm4b:s3+s9], $0x40, s11, s9, $0xb8;
	[tilespmem:$0x10400] =	vst v63  }
0x1e: {  	s13 =	simm.s32 @!p0 $0x1;
	s11 =	simm.s32 @!p0 $0x380;
	s12 =	simm.s32 @!p0 $0xE400  }
0x1f: {  	[tilespmem:s12], [sflag:$0x1] =	stream.indirect.gather @!p0 [hbm4b:s3+s9], $0x40, s11, s9, $0xb8;
	[tilespmem:$0x10400] =	vst v63  }
0x20: {  	_ =	swait.ge @!p0 [sflag:s13], $0x2000  }
0x21: {  	[sflag:s13] =	ssyncset.done @!p0 $0x0  }
0x22: {  	[sflag:s13] =	ssyncadd.s32 @!p0 $0xFFFFE000  }
0x23: {  	_ =	swait.ge @!p0 [sflag:s13], $0x2000  }
0x24: {  	[sflag:s13] =	ssyncset.done @!p0 $0x0  }
0x25: {  	[sflag:s13] =	ssyncadd.s32 @!p0 $0xFFFFE000  }
0x26: {  	_ =	swait.ge @!p0 [sflag:s13], $0x2000  }
0x27: {  	[sflag:s13] =	ssyncset.done @!p0 $0x0  }
0x28: {  	[sflag:s13] =	ssyncadd.s32 @!p0 $0xFFFFE000  }
0x29: {  	_ =	swait.ge @!p0 [sflag:s13], $0x2000  }
0x2a: {  	[sflag:s13] =	ssyncset.done @!p0 $0x0  }
0x2b: {  	[sflag:s13] =	ssyncadd.s32 @!p0 $0xFFFFE000  }
0x2c: {  	_ =	swait.ge @!p0 [sflag:s13], $0x2000  }
0x2d: {  	[sflag:s13] =	ssyncset.done @!p0 $0x0  }
0x2e: {  	[sflag:s13] =	ssyncadd.s32 @!p0 $0xFFFFE000  }
0x2f: {  	_ =	swait.ge @!p0 [sflag:s13], $0x2000  }
0x30: {  	[sflag:s13] =	ssyncset.done @!p0 $0x0  }
0x31: {  	[sflag:s13] =	ssyncadd.s32 @!p0 $0xFFFFE000  }
0x32: {  	_ =	swait.ge @!p0 [sflag:s13], $0x2000  }
0x33: {  	[sflag:s13] =	ssyncset.done @!p0 $0x0  }
0x34: {  	[sflag:s13] =	ssyncadd.s32 @!p0 $0xFFFFE000  }
0x35: {  	_ =	swait.ge @!p0 [sflag:s13], $0x2000  }
0x36: {  	[sflag:s13] =	ssyncset.done @!p0 $0x0  }
0x37: {  	s31 =	sadd.s32 $0x20, s4;
	s14 =	simm.s32 @!p0 $0x2;
	[sflag:s13] =	ssyncadd.s32 @!p0 $0xFFFFE000  }
0x38: {  	[hbm4b:s6+s8] =	stream.linear.scatter @!p0 [tilespmem:s10], [sflag:$0x2], $0x10000, $0x38;
	[tilespmem:$0x10400] =	vst v63  }
0x39: {  	p2 =	sgt.u32 s31, $0x4F;
	s9 =	simm.s32 $0x40;
	_ =	swait.ge @!p0 [sflag:s14], $0x10000  }
0x3a: {  	s10 =	sadd.s32 $0x1000, s7;
	s8 =	sadd.s32 $0x40000, s6;
	[sflag:s14] =	ssyncset.done @!p0 $0x0  }
.LBB2_2:
0x3b: {  	s11 =	simm.s32 @!p2 $0x0;
	s13 =	simm.s32 @!p2 $0x3;
	[sflag:s14] =	ssyncadd.s32 @!p0 $0xFFFF0000  }
0x3c: {  	[tilespmem:s11], [sflag:$0x3] =	stream.linear.gather @!p2 [hbm4b:s10+s11], $0x400, $0x38;
	[tilespmem:$0x10400] =	vst v63  }
0x3d: {  	s12 =	smov.u32 s9;
	s9 =	sadd.s32 $0x20, s9;
	_ =	swait.ge @!p2 [sflag:s13], $0x400  }
0x3e: {  	p0 =	por p2, p2;
	p1 =	sne.s32 s9, $0x60;
	[sflag:s13] =	ssyncset.done @!p2 $0x0  }
0x3f: {  	s14 =	simm.s32 @!p0 $0x80;
	[sflag:s13] =	ssyncadd.s32 @!p0 $0xFFFFFC00;
	s13 =	simm.s32 @!p0 $0x400  }
0x40: {  	[tilespmem:s13], [sflag:$0x1] =	stream.indirect.gather @!p0 [hbm4b:s3+s14], $0x40, s11, s14, $0xb8;
	[tilespmem:$0x10400] =	vst v63  }
0x41: {  	s15 =	simm.s32 @!p0 $0x2400  }
0x42: {  	[tilespmem:s15], [sflag:$0x1] =	stream.indirect.gather @!p0 [hbm4b:s3+s14], $0x40, s14, s14, $0xb8;
	[tilespmem:$0x10400] =	vst v63  }
0x43: {  	s16 =	simm.s32 @!p0 $0x4400;
	s15 =	simm.s32 @!p0 $0x100  }
0x44: {  	[tilespmem:s16], [sflag:$0x1] =	stream.indirect.gather @!p0 [hbm4b:s3+s14], $0x40, s15, s14, $0xb8;
	[tilespmem:$0x10400] =	vst v63  }
0x45: {  	s15 =	simm.s32 @!p0 $0x180;
	s16 =	simm.s32 @!p0 $0x6400  }
0x46: {  	[tilespmem:s16], [sflag:$0x1] =	stream.indirect.gather @!p0 [hbm4b:s3+s14], $0x40, s15, s14, $0xb8;
	[tilespmem:$0x10400] =	vst v63  }
0x47: {  	s15 =	simm.s32 @!p0 $0x200;
	s16 =	simm.s32 @!p0 $0x8400  }
0x48: {  	[tilespmem:s16], [sflag:$0x1] =	stream.indirect.gather @!p0 [hbm4b:s3+s14], $0x40, s15, s14, $0xb8;
	[tilespmem:$0x10400] =	vst v63  }
0x49: {  	s15 =	simm.s32 @!p0 $0x280;
	s16 =	simm.s32 @!p0 $0xA400  }
0x4a: {  	[tilespmem:s16], [sflag:$0x1] =	stream.indirect.gather @!p0 [hbm4b:s3+s14], $0x40, s15, s14, $0xb8;
	[tilespmem:$0x10400] =	vst v63  }
0x4b: {  	s15 =	simm.s32 @!p0 $0x300;
	s16 =	simm.s32 @!p0 $0xC400  }
0x4c: {  	[tilespmem:s16], [sflag:$0x1] =	stream.indirect.gather @!p0 [hbm4b:s3+s14], $0x40, s15, s14, $0xb8;
	[tilespmem:$0x10400] =	vst v63  }
0x4d: {  	s17 =	simm.s32 @!p0 $0x1;
	s15 =	simm.s32 @!p0 $0x380;
	s16 =	simm.s32 @!p0 $0xE400  }
0x4e: {  	[tilespmem:s16], [sflag:$0x1] =	stream.indirect.gather @!p0 [hbm4b:s3+s14], $0x40, s15, s14, $0xb8;
	[tilespmem:$0x10400] =	vst v63  }
0x4f: {  	_ =	swait.ge @!p0 [sflag:s17], $0x2000  }
0x50: {  	[sflag:s17] =	ssyncset.done @!p0 $0x0  }
0x51: {  	[sflag:s17] =	ssyncadd.s32 @!p0 $0xFFFFE000  }
0x52: {  	_ =	swait.ge @!p0 [sflag:s17], $0x2000  }
0x53: {  	[sflag:s17] =	ssyncset.done @!p0 $0x0  }
0x54: {  	[sflag:s17] =	ssyncadd.s32 @!p0 $0xFFFFE000  }
0x55: {  	_ =	swait.ge @!p0 [sflag:s17], $0x2000  }
0x56: {  	[sflag:s17] =	ssyncset.done @!p0 $0x0  }
0x57: {  	[sflag:s17] =	ssyncadd.s32 @!p0 $0xFFFFE000  }
0x58: {  	_ =	swait.ge @!p0 [sflag:s17], $0x2000  }
0x59: {  	[sflag:s17] =	ssyncset.done @!p0 $0x0  }
0x5a: {  	[sflag:s17] =	ssyncadd.s32 @!p0 $0xFFFFE000  }
0x5b: {  	_ =	swait.ge @!p0 [sflag:s17], $0x2000  }
0x5c: {  	[sflag:s17] =	ssyncset.done @!p0 $0x0  }
0x5d: {  	[sflag:s17] =	ssyncadd.s32 @!p0 $0xFFFFE000  }
0x5e: {  	_ =	swait.ge @!p0 [sflag:s17], $0x2000  }
0x5f: {  	[sflag:s17] =	ssyncset.done @!p0 $0x0  }
0x60: {  	[sflag:s17] =	ssyncadd.s32 @!p0 $0xFFFFE000  }
0x61: {  	_ =	swait.ge @!p0 [sflag:s17], $0x2000  }
0x62: {  	[sflag:s17] =	ssyncset.done @!p0 $0x0  }
0x63: {  	[sflag:s17] =	ssyncadd.s32 @!p0 $0xFFFFE000  }
0x64: {  	_ =	swait.ge @!p0 [sflag:s17], $0x2000  }
.Ltmp0:
0x65: {  	[sflag:s17] =	ssyncset.done @!p0 $0x0;
	(pc) =	sbr.rel @p1 .LBB2_2-.Ltmp0, $4  }
0x66: {  	s14 =	simm.s32 @!p0 $0x2;
	[sflag:s17] =	ssyncadd.s32 @!p0 $0xFFFFE000  }
0x67: {  	[hbm4b:s8+s11] =	stream.linear.scatter @!p0 [tilespmem:s13], [sflag:$0x2], $0x10000, $0x38;
	[tilespmem:$0x10400] =	vst v63  }
0x68: {  	s10 =	sadd.s32 $0x1000, s10;
	s11 =	sadd.s32 s12, s4;
	_ =	swait.ge @!p0 [sflag:s14], $0x10000  }
0x69: {  	s8 =	sadd.s32 $0x40000, s8;
	p2 =	sgt.u32 s11, $0x4F;
	[sflag:s14] =	ssyncset.done @!p0 $0x0  }
0x6a: {  	s9 =	simm.s32 @!p2 $0x0;
	s11 =	simm.s32 @!p2 $0x3;
	[sflag:s14] =	ssyncadd.s32 @!p0 $0xFFFF0000  }
0x6b: {  	[tilespmem:s9], [sflag:$0x3] =	stream.linear.gather @!p2 [hbm4b:s10+s9], $0x400, $0x38;
	[tilespmem:$0x10400] =	vst v63  }
0x6c: {  	_ =	swait.ge @!p2 [sflag:s11], $0x400  }
0x6d: {  	p0 =	por p2, p2;
	[sflag:s11] =	ssyncset.done @!p2 $0x0  }
0x6e: {  	s10 =	simm.s32 @!p0 $0x80;
	[sflag:s11] =	ssyncadd.s32 @!p0 $0xFFFFFC00;
	s11 =	simm.s32 @!p0 $0x400  }
0x6f: {  	[tilespmem:s11], [sflag:$0x1] =	stream.indirect.gather @!p0 [hbm4b:s3+s10], $0x40, s9, s10, $0xb8;
	[tilespmem:$0x10400] =	vst v63  }
0x70: {  	s12 =	simm.s32 @!p0 $0x2400  }
0x71: {  	[tilespmem:s12], [sflag:$0x1] =	stream.indirect.gather @!p0 [hbm4b:s3+s10], $0x40, s10, s10, $0xb8;
	[tilespmem:$0x10400] =	vst v63  }
0x72: {  	s13 =	simm.s32 @!p0 $0x4400;
	s12 =	simm.s32 @!p0 $0x100  }
0x73: {  	[tilespmem:s13], [sflag:$0x1] =	stream.indirect.gather @!p0 [hbm4b:s3+s10], $0x40, s12, s10, $0xb8;
	[tilespmem:$0x10400] =	vst v63  }
0x74: {  	s12 =	simm.s32 @!p0 $0x180;
	s13 =	simm.s32 @!p0 $0x6400  }
0x75: {  	[tilespmem:s13], [sflag:$0x1] =	stream.indirect.gather @!p0 [hbm4b:s3+s10], $0x40, s12, s10, $0xb8;
	[tilespmem:$0x10400] =	vst v63  }
0x76: {  	s12 =	simm.s32 @!p0 $0x200;
	s13 =	simm.s32 @!p0 $0x8400  }
0x77: {  	[tilespmem:s13], [sflag:$0x1] =	stream.indirect.gather @!p0 [hbm4b:s3+s10], $0x40, s12, s10, $0xb8;
	[tilespmem:$0x10400] =	vst v63  }
0x78: {  	s12 =	simm.s32 @!p0 $0x280;
	s13 =	simm.s32 @!p0 $0xA400  }
0x79: {  	[tilespmem:s13], [sflag:$0x1] =	stream.indirect.gather @!p0 [hbm4b:s3+s10], $0x40, s12, s10, $0xb8;
	[tilespmem:$0x10400] =	vst v63  }
0x7a: {  	s12 =	simm.s32 @!p0 $0x300;
	s13 =	simm.s32 @!p0 $0xC400  }
0x7b: {  	[tilespmem:s13], [sflag:$0x1] =	stream.indirect.gather @!p0 [hbm4b:s3+s10], $0x40, s12, s10, $0xb8;
	[tilespmem:$0x10400] =	vst v63  }
0x7c: {  	s14 =	simm.s32 @!p0 $0x1;
	s12 =	simm.s32 @!p0 $0x380;
	s13 =	simm.s32 @!p0 $0xE400  }
0x7d: {  	[tilespmem:s13], [sflag:$0x1] =	stream.indirect.gather @!p0 [hbm4b:s3+s10], $0x40, s12, s10, $0xb8;
	[tilespmem:$0x10400] =	vst v63  }
0x7e: {  	_ =	swait.ge @!p0 [sflag:s14], $0x2000  }
0x7f: {  	[sflag:s14] =	ssyncset.done @!p0 $0x0  }
0x80: {  	[sflag:s14] =	ssyncadd.s32 @!p0 $0xFFFFE000  }
0x81: {  	_ =	swait.ge @!p0 [sflag:s14], $0x2000  }
0x82: {  	[sflag:s14] =	ssyncset.done @!p0 $0x0  }
0x83: {  	[sflag:s14] =	ssyncadd.s32 @!p0 $0xFFFFE000  }
0x84: {  	_ =	swait.ge @!p0 [sflag:s14], $0x2000  }
0x85: {  	[sflag:s14] =	ssyncset.done @!p0 $0x0  }
0x86: {  	[sflag:s14] =	ssyncadd.s32 @!p0 $0xFFFFE000  }
0x87: {  	_ =	swait.ge @!p0 [sflag:s14], $0x2000  }
0x88: {  	[sflag:s14] =	ssyncset.done @!p0 $0x0  }
0x89: {  	[sflag:s14] =	ssyncadd.s32 @!p0 $0xFFFFE000  }
0x8a: {  	_ =	swait.ge @!p0 [sflag:s14], $0x2000  }
0x8b: {  	[sflag:s14] =	ssyncset.done @!p0 $0x0  }
0x8c: {  	[sflag:s14] =	ssyncadd.s32 @!p0 $0xFFFFE000  }
0x8d: {  	_ =	swait.ge @!p0 [sflag:s14], $0x2000  }
0x8e: {  	[sflag:s14] =	ssyncset.done @!p0 $0x0  }
0x8f: {  	[sflag:s14] =	ssyncadd.s32 @!p0 $0xFFFFE000  }
0x90: {  	_ =	swait.ge @!p0 [sflag:s14], $0x2000  }
0x91: {  	[sflag:s14] =	ssyncset.done @!p0 $0x0  }
0x92: {  	[sflag:s14] =	ssyncadd.s32 @!p0 $0xFFFFE000  }
0x93: {  	s1 =	sadd.s32 $0x1, s1;
	_ =	swait.ge @!p0 [sflag:s14], $0x2000  }
0x94: {  	p1 =	sne.s32 s1, s5;
	[sflag:s14] =	ssyncset.done @!p0 $0x0  }
.Ltmp1:
0x95: {  	s10 =	simm.s32 @!p0 $0x2;
	[sflag:s14] =	ssyncadd.s32 @!p0 $0xFFFFE000;
	(pc) =	sbr.rel @p1 .LBB2_1-.Ltmp1, $4  }
0x96: {  	[hbm4b:s8+s9] =	stream.linear.scatter @!p0 [tilespmem:s11], [sflag:$0x2], $0x10000, $0x38;
	[tilespmem:$0x10400] =	vst v63  }
0x97: {  	_ =	swait.ge @!p0 [sflag:s10], $0x10000  }
0x98: {  	[sflag:s10] =	ssyncset.done @!p0 $0x0  }
0x99: {  	[sflag:s10] =	ssyncadd.s32 @!p0 $0xFFFF0000  }
0x9a: {  	_ =	sfence.sel $0x180000  }
0x9b: {  	[bflag:$0x0] =	sbarrier.arrive $0xFFFF  }
0x9c: {  	p0 =	sne.s32 s2, $0x0;
	_ =	strace $0x90000047  }
0x9d: {  	s0 =	sadd.s32 @!p0 $0x100000, s0;
	[bflag:$0x2] =	sbarrier.arrive $0xFFFF  }
0x9e: {  	[sflag:s0] =	ssyncadd.tile.s32 @!p0 $0x1;
	_ =	shalt  }
.Lfunc_end2:
_tile_overlayer_lowered:
.L_overlay_start_2:
0x9f: {  	(tag) =	ssettag $0x2  }
0xa0: {  	s0 =	rddreg [dreg:$0x0];
	s2 =	stileid.u32  }
0xa1: {  	s1 =	rddreg [dreg:$0x1];
	p0 =	sne.s32 s2, $0x0  }
0xa2: {  	s3 =	rddreg [dreg:$0x2];
	[bflag:$0x3] =	sbarrier.arrive $0xFFFF;
	s2 =	simm.s32 @!p0 $0x1C02  }
0xa3: {  	[timem:s3], [sflag:s2] =	dma.local @!p0 [hbm:s0], s1  }
0xa4: {  	s0 =	simm.s32 @!p0 $0x2  }
0xa5: {  	_ =	swait.ge @!p0 [sflag:s0], s1  }
0xa6: {  	s1 =	ssub.s32 @!p0 $0x0, s1;
	[sflag:s0] =	ssyncset.done @!p0 $0x0  }
0xa7: {  	[sflag:s0] =	ssyncadd.s32 @!p0 s1  }
0xa8: {  	[bflag:$0x3] =	sbarrier.arrive $0xFFFF  }
0xa9: {  	_ =	shalt  }

</sc_bundles>
